<compile_context>
chip_gen: v7x
topology: tpu7x:2x2x1
jax: 0.10.2.dev20260603
libtpu: 0.0.44.dev20260713+nightly
codegen_flags: <defaults>
</compile_context>

<pallas_src>
import functools

import jax
import jax.numpy as jnp
from jax import lax
from jax.experimental import pallas as pl
from jax.experimental.pallas import tpu as pltpu
from jax.experimental.pallas import tpu_sc as plsc

B = 8
H = W = 112
C = 96
F = H * W * C
UPS = 2
OH = H * UPS
OW = W * UPS
PLANE = OW * C
S = OH * PLANE

NC = 2
NS = 16
L = 16

NCHUNK = 6
P38 = 38
P36 = 36
CHUNK38 = P38 * PLANE
CHUNK36 = P36 * PLANE
DUMP = 2048
ACCH = CHUNK38 + DUMP
NTASK = B * NCHUNK

PER_TILE = F // NS
PIECE = 2688
NPIECE = PER_TILE // PIECE
PC = PIECE + 128
HOOK = 8
WB38 = 399 * 128
WB36 = 378 * 128
ZW = 2688


def _body(feat_hbm, idx_hbm, out_hbm, idx_v, feat_v, adjc, featc, zero_v,
          acc_sh, sem_in, sem_sc, sem_z, sem_wb):
    core = lax.axis_index("c")
    tile = lax.axis_index("s")
    iota = lax.iota(jnp.int32, L)

    def _zinit(g, _):
        zero_v[pl.ds(g * L, L)] = jnp.zeros((L,), jnp.float32)
        return 0

    lax.fori_loop(0, ZW // L, _zinit, 0)

    def _stage_start(p, par, in_base):
        src = in_base + p * PIECE
        pltpu.async_copy(idx_hbm.at[pl.ds(src, PIECE)],
                         idx_v.at[pl.ds(par * PIECE, PIECE)], sem_in)
        pltpu.async_copy(feat_hbm.at[pl.ds(src, PIECE)],
                         feat_v.at[pl.ds(par * PIECE, PIECE)], sem_in)

    def _stage_wait(p, par, in_base):
        src = in_base + p * PIECE
        pltpu.make_async_copy(idx_hbm.at[pl.ds(src, PIECE)],
                              idx_v.at[pl.ds(par * PIECE, PIECE)],
                              sem_in).wait()
        pltpu.make_async_copy(feat_hbm.at[pl.ds(src, PIECE)],
                              feat_v.at[pl.ds(par * PIECE, PIECE)],
                              sem_in).wait()

    def _compact(par, shift, lo, hi):

        def _row(j, wptr):
            locs, oks, vs, pcs = [], [], [], []
            for g in range(128 // L):
                off = par * PIECE + j * 128 + g * L
                raw = idx_v[pl.ds(off, L)]
                ls = raw - shift
                ok = (ls >= lo) & (ls < hi)
                locs.append(ls)
                oks.append(ok)
                vs.append(feat_v[pl.ds(off, L)])
                pcs.append(plsc.all_reduce_population_count(ok)[0])
            offs = [wptr]
            for g in range(128 // L):
                offs.append(offs[g] + pcs[g])
            for g in range(128 // L):
                plsc.store_compressed(adjc.at[pl.ds(par * PC + offs[g], L)],
                                      locs[g], mask=oks[g])
                plsc.store_compressed(
                    featc.at[pl.ds(par * PIECE + offs[g], L)],
                    vs[g], mask=oks[g])
            return offs[128 // L]

        return lax.fori_loop(0, PIECE // 128, _row, jnp.int32(0))

    def _pad(par, cnt, p, dump_base):
        for q in range(8):
            offs = (p * 256 + q * 16 + tile * 64) & (DUMP - 16)
            adjc[pl.ds(par * PC + cnt + q * L, L)] = dump_base + offs + iota

    def _scatter_fire(par, rows):
        def _row(j, _):
            pltpu.async_copy(
                featc.at[pl.ds(par * PIECE + j * 128, 128)],
                acc_sh.at[adjc.at[pl.ds(par * PC + j * 128, 128)]],
                sem_sc, add=True)
            return 0

        lax.fori_loop(0, rows, _row, 0)

    def _scatter_drain(par, rows):
        def _row(j, _):
            pltpu.make_async_copy(
                featc.at[pl.ds(par * PIECE + j * 128, 128)],
                acc_sh.at[adjc.at[pl.ds(par * PC + j * 128, 128)]],
                sem_sc).wait()
            return 0

        lax.fori_loop(0, rows, _row, 0)

    def _task_params(idx):
        t = idx * NC + core
        b = t // NCHUNK
        k = t % NCHUNK
        hoff = lax.rem(idx, 2) * ACCH
        base_k = jnp.where(k < 4, k * P38, 4 * P38 + (k - 4) * P36) * PLANE
        return b, k, hoff, base_k

    def _wb_fire(b, k, hoff, base_k):
        @pl.when(k < 4)
        def _():
            off = tile * WB38
            pltpu.async_copy(acc_sh.at[pl.ds(hoff + off, WB38)],
                             out_hbm.at[pl.ds(b * S + base_k + off, WB38)],
                             sem_wb)

        @pl.when(k >= 4)
        def _():
            off = tile * WB36
            pltpu.async_copy(acc_sh.at[pl.ds(hoff + off, WB36)],
                             out_hbm.at[pl.ds(b * S + base_k + off, WB36)],
                             sem_wb)

    def _wb_drain(b, k, hoff, base_k):
        @pl.when(k < 4)
        def _():
            off = tile * WB38
            pltpu.make_async_copy(
                acc_sh.at[pl.ds(hoff + off, WB38)],
                out_hbm.at[pl.ds(b * S + base_k + off, WB38)],
                sem_wb).wait()

        @pl.when(k >= 4)
        def _():
            off = tile * WB36
            pltpu.make_async_copy(
                acc_sh.at[pl.ds(hoff + off, WB36)],
                out_hbm.at[pl.ds(b * S + base_k + off, WB36)],
                sem_wb).wait()

    def _zero_fire(k, hoff):
        @pl.when(k < 4)
        def _():
            def _zf(q, _):
                pltpu.async_copy(
                    zero_v, acc_sh.at[pl.ds(hoff + tile * WB38 + q * ZW, ZW)],
                    sem_z)
                return 0

            lax.fori_loop(0, WB38 // ZW, _zf, 0)

        @pl.when(k >= 4)
        def _():
            def _zf(q, _):
                pltpu.async_copy(
                    zero_v, acc_sh.at[pl.ds(hoff + tile * WB36 + q * ZW, ZW)],
                    sem_z)
                return 0

            lax.fori_loop(0, WB36 // ZW, _zf, 0)
            pltpu.async_copy(
                zero_v, acc_sh.at[pl.ds(hoff + CHUNK36 + tile * ZW, ZW)],
                sem_z)

    def _zero_drain(k, hoff):
        @pl.when(k < 4)
        def _():
            def _zd(q, _):
                pltpu.make_async_copy(
                    zero_v, acc_sh.at[pl.ds(hoff + tile * WB38 + q * ZW, ZW)],
                    sem_z).wait()
                return 0

            lax.fori_loop(0, WB38 // ZW, _zd, 0)

        @pl.when(k >= 4)
        def _():
            def _zd(q, _):
                pltpu.make_async_copy(
                    zero_v, acc_sh.at[pl.ds(hoff + tile * WB36 + q * ZW, ZW)],
                    sem_z).wait()
                return 0

            lax.fori_loop(0, WB36 // ZW, _zd, 0)
            pltpu.make_async_copy(
                zero_v, acc_sh.at[pl.ds(hoff + CHUNK36 + tile * ZW, ZW)],
                sem_z).wait()

    for hh in range(2):
        def _zf(q, _, hh=hh):
            pltpu.async_copy(
                zero_v,
                acc_sh.at[pl.ds(hh * ACCH + tile * WB38 + q * ZW, ZW)],
                sem_z)
            return 0

        lax.fori_loop(0, WB38 // ZW, _zf, 0)
    for hh in range(2):
        def _zd(q, _, hh=hh):
            pltpu.make_async_copy(
                zero_v,
                acc_sh.at[pl.ds(hh * ACCH + tile * WB38 + q * ZW, ZW)],
                sem_z).wait()
            return 0

        lax.fori_loop(0, WB38 // ZW, _zd, 0)
    plsc.subcore_barrier()

    def _task(i, _):
        b, k, hoff, base_k = _task_params(i)
        bp, kp, hpoff, base_kp = _task_params(i - 1)
        chunk_size = jnp.where(k < 4, CHUNK38, CHUNK36)
        shift = base_k - hoff
        lo = hoff
        hi = hoff + chunk_size
        dump_base = hoff + CHUNK38
        in_base = b * F + tile * PER_TILE

        _stage_start(0, 0, in_base)

        def _piece(p, rows_prev):
            cur = lax.rem(p, 2)
            nxt = 1 - cur
            _stage_wait(p, cur, in_base)
            cnt = _compact(cur, shift, lo, hi)
            _pad(cur, cnt, p, dump_base)
            rows = (cnt + 127) // 128

            @pl.when(p > 0)
            def _():
                _scatter_drain(nxt, rows_prev)

            _scatter_fire(cur, rows)

            @pl.when(p + 1 < NPIECE)
            def _():
                _stage_start(p + 1, nxt, in_base)

            @pl.when((p == HOOK) & (i >= 1))
            def _():
                _wb_drain(bp, kp, hpoff, base_kp)
                _zero_fire(kp, hpoff)

            return rows

        rows_last = lax.fori_loop(0, NPIECE, _piece, jnp.int32(0))
        _scatter_drain((NPIECE - 1) % 2, rows_last)

        @pl.when(i >= 1)
        def _():
            _zero_drain(kp, hpoff)

        plsc.subcore_barrier()
        _wb_fire(b, k, hoff, base_k)
        return 0

    lax.fori_loop(0, NTASK // NC, _task, 0)

    bl, kl, hloff, base_kl = _task_params(NTASK // NC - 1)
    _wb_drain(bl, kl, hloff, base_kl)


@functools.partial(
    pl.kernel,
    out_type=jax.ShapeDtypeStruct((B * S,), jnp.float32),
    mesh=plsc.VectorSubcoreMesh(core_axis_name="c", subcore_axis_name="s"),
    scratch_types=[
        pltpu.VMEM((2 * PIECE,), jnp.int32),
        pltpu.VMEM((2 * PIECE,), jnp.float32),
        pltpu.VMEM((2 * PC,), jnp.int32),
        pltpu.VMEM((2 * PIECE,), jnp.float32),
        pltpu.VMEM((ZW,), jnp.float32),
        pltpu.VMEM_SHARED((2 * ACCH,), jnp.float32),
        pltpu.SemaphoreType.DMA,
        pltpu.SemaphoreType.DMA,
        pltpu.SemaphoreType.DMA,
        pltpu.SemaphoreType.DMA,
    ],
    compiler_params=pltpu.CompilerParams(needs_layout_passes=False),
)
def _scatter_add_kernel(feat_hbm, idx_hbm, out_hbm, idx_v, feat_v, adjc,
                        featc, zero_v, acc_sh, sem_in, sem_sc, sem_z, sem_wb):
    _body(feat_hbm, idx_hbm, out_hbm, idx_v, feat_v, adjc, featc, zero_v,
          acc_sh, sem_in, sem_sc, sem_z, sem_wb)


def kernel(features, indices):
    feat_flat = features.reshape(B * F)
    idx = indices.reshape(B * F).astype(jnp.int32)
    oh = idx // PLANE
    r = idx - oh * PLANE
    ow = r // C
    oc = r - ow * C
    ridx = oh * PLANE + oc * OW + ow
    out = _scatter_add_kernel(feat_flat, ridx)
    return out.reshape(B, OH, C, OW).transpose(0, 1, 3, 2)

# --- scband reference (transcript-rebuilt; emitter-appended) ---
"""Pipeline reference for scband-arg-max-upsample-69612829934171 (READ-ONLY COPY).

The authoritative reference and input builder live on the scoring server;
editing this copy changes nothing except your own understanding.
"""

import jax, jax.numpy as jnp
import numpy as np

B, H, W, C = 8, 112, 112, 96
SIZE = (2, 2)
FEATURES_SIZE = H * W * C
OUT_H, OUT_W, OUT_C = H * SIZE[0], W * SIZE[1], C
SCATTER_OUTPUT_SIZE = OUT_H * OUT_W * OUT_C


def setup_inputs(seed: int = 0) -> dict:
    key = jax.random.key(seed)
    k1, k2 = jax.random.split(key)
    features = jax.random.normal(k1, (B, H, W, C), dtype=jnp.float32)
    indices = jax.random.randint(k2, (B, H, W, C), 0, SCATTER_OUTPUT_SIZE, dtype=jnp.int64)
    return {"features": features, "indices": indices}


def reference(features, indices):
    # Faithful translation of ArgMaxUpsample.call (max-unpooling via scatter).
    batch_size = features.shape[0]
    flat_feat = features.reshape(batch_size, FEATURES_SIZE)
    flat_idx = indices.reshape(batch_size, FEATURES_SIZE)
    # tf.scatter_nd sums duplicate indices -> use .at[].add
    batch_ids = jnp.arange(batch_size)[:, None]
    output = jnp.zeros((batch_size, SCATTER_OUTPUT_SIZE), dtype=features.dtype)
    output = output.at[batch_ids, flat_idx].add(flat_feat)
    output = output.reshape(-1, OUT_H, OUT_W, OUT_C)
    return output

if __name__ == "__main__":
    import jax
    _d = setup_inputs()
    print(jax.jit(kernel)(*tuple(_d.values())))

</pallas_src>

<mosaic_0001>
#map = affine_map<(d0, d1) -> (0)>
module attributes {stable_mosaic.version = 14 : i64} {
  func.func @_scatter_add_kernel(%arg0: i32, %arg1: i32, %arg2: memref<9633792xf32, #tpu.memory_space<hbm>>, %arg3: memref<9633792xi32, #tpu.memory_space<hbm>>, %arg4: memref<38535168xf32, #tpu.memory_space<hbm>>, %arg5: memref<5376xi32, #tpu.memory_space<vmem>>, %arg6: memref<5376xf32, #tpu.memory_space<vmem>>, %arg7: memref<5632xi32, #tpu.memory_space<vmem>>, %arg8: memref<5376xf32, #tpu.memory_space<vmem>>, %arg9: memref<2688xf32, #tpu.memory_space<vmem>>, %arg10: memref<1638400xf32, #tpu.memory_space<vmem_shared>>, %arg11: memref<!tpu.dma_semaphore, #tpu.memory_space<semaphore_mem>>, %arg12: memref<!tpu.dma_semaphore, #tpu.memory_space<semaphore_mem>>, %arg13: memref<!tpu.dma_semaphore, #tpu.memory_space<semaphore_mem>>, %arg14: memref<!tpu.dma_semaphore, #tpu.memory_space<semaphore_mem>>) attributes {dimension_semantics = [#tpu.dimension_semantics<core_parallel>, #tpu.dimension_semantics<subcore_parallel>], iteration_bounds = array<i64: 2, 16>, scalar_prefetch = 0 : i64, scratch_operands = 10 : i64, tpu.core_type = #tpu.core_type<sc_vector_subcore>, window_params = [{transform_indices = #map}, {transform_indices = #map}, {transform_indices = #map}]} {
    %iota3A = tpu.iota {dimensions = array<i32: 0>} : vector<16xi32>
    %scan3A = arith.constant 0 : i32
    %scan3A_0 = arith.constant 0 : i32
    %scan3A_1 = arith.constant 168 : i32
    %scan3A_2 = arith.addi %scan3A_0, %scan3A_1 : i32
    %scan3A_3 = arith.constant 1 : i32
    %scan3A_4 = scf.for %scan3A_96 = %scan3A_0 to %scan3A_2 step %scan3A_3 iter_args(%scan3A_97 = %scan3A) -> (i32)  : i32 {
      %broadcast_in_dim3A = arith.constant 0.000000e+00 : f32
      %broadcast_in_dim3A_98 = vector.broadcast %broadcast_in_dim3A : f32 to vector<16xf32>
      %mul3A_99 = arith.constant 16 : i32
      %mul3A_100 = arith.muli %scan3A_96, %mul3A_99 : i32
      %swap3A = arith.index_cast %mul3A_100 : i32 to index
      %swap3A_101 = tpu.vector_load %arg9[%swap3A] {strides = array<i32>} : memref<2688xf32, #tpu.memory_space<vmem>>, vector<16xf32>,
      tpu.vector_store %arg9[%swap3A], %broadcast_in_dim3A_98 {strides = array<i32>} : memref<2688xf32, #tpu.memory_space<vmem>>, vector<16xf32>,
      %scan3A_102 = arith.constant 0 : i32
      scf.yield %scan3A_102 : i32
    }
    %scan3A_5 = arith.constant 168 : i32
    %scan3A_6 = arith.constant 0 : i32
    %scan3A_7 = arith.constant 0 : i32
    %scan3A_8 = arith.constant 19 : i32
    %scan3A_9 = arith.addi %scan3A_7, %scan3A_8 : i32
    %scan3A_10 = arith.constant 1 : i32
    %scan3A_11 = scf.for %scan3A_96 = %scan3A_7 to %scan3A_9 step %scan3A_10 iter_args(%scan3A_97 = %scan3A_6) -> (i32)  : i32 {
      %mul3A_98 = arith.constant 51072 : i32
      %mul3A_99 = arith.muli %arg1, %mul3A_98 : i32
      %add3A_100 = arith.constant 0 : i32
      %add3A_101 = arith.addi %add3A_100, %mul3A_99 : i32
      %mul3A_102 = arith.constant 2688 : i32
      %mul3A_103 = arith.muli %scan3A_96, %mul3A_102 : i32
      %add3A_104 = arith.addi %add3A_101, %mul3A_103 : i32
      %dma_start3A = tpu.memref_slice %arg10[%add3A_104] : memref<1638400xf32, #tpu.memory_space<vmem_shared>> -> memref<2688xf32, #tpu.memory_space<vmem_shared>>
      %dma_start3A_105 = tpu.memref_slice %arg10[%add3A_104] : memref<1638400xf32, #tpu.memory_space<vmem_shared>> -> memref<2688xf32, #tpu.memory_space<vmem_shared>>
      tpu.enqueue_dma source(%arg9 : memref<2688xf32, #tpu.memory_space<vmem>>) target(%dma_start3A_105 : memref<2688xf32, #tpu.memory_space<vmem_shared>>) target_semaphore(%arg13 : memref<!tpu.dma_semaphore, #tpu.memory_space<semaphore_mem>>)
      %scan3A_106 = arith.constant 0 : i32
      scf.yield %scan3A_106 : i32
    }
    %scan3A_12 = arith.constant 19 : i32
    %scan3A_13 = arith.constant 0 : i32
    %scan3A_14 = arith.constant 0 : i32
    %scan3A_15 = arith.constant 19 : i32
    %scan3A_16 = arith.addi %scan3A_14, %scan3A_15 : i32
    %scan3A_17 = arith.constant 1 : i32
    %scan3A_18 = scf.for %scan3A_96 = %scan3A_14 to %scan3A_16 step %scan3A_17 iter_args(%scan3A_97 = %scan3A_13) -> (i32)  : i32 {
      %mul3A_98 = arith.constant 51072 : i32
      %mul3A_99 = arith.muli %arg1, %mul3A_98 : i32
      %add3A_100 = arith.constant 819200 : i32
      %add3A_101 = arith.addi %add3A_100, %mul3A_99 : i32
      %mul3A_102 = arith.constant 2688 : i32
      %mul3A_103 = arith.muli %scan3A_96, %mul3A_102 : i32
      %add3A_104 = arith.addi %add3A_101, %mul3A_103 : i32
      %dma_start3A = tpu.memref_slice %arg10[%add3A_104] : memref<1638400xf32, #tpu.memory_space<vmem_shared>> -> memref<2688xf32, #tpu.memory_space<vmem_shared>>
      %dma_start3A_105 = tpu.memref_slice %arg10[%add3A_104] : memref<1638400xf32, #tpu.memory_space<vmem_shared>> -> memref<2688xf32, #tpu.memory_space<vmem_shared>>
      tpu.enqueue_dma source(%arg9 : memref<2688xf32, #tpu.memory_space<vmem>>) target(%dma_start3A_105 : memref<2688xf32, #tpu.memory_space<vmem_shared>>) target_semaphore(%arg13 : memref<!tpu.dma_semaphore, #tpu.memory_space<semaphore_mem>>)
      %scan3A_106 = arith.constant 0 : i32
      scf.yield %scan3A_106 : i32
    }
    %scan3A_19 = arith.constant 19 : i32
    %scan3A_20 = arith.constant 0 : i32
    %scan3A_21 = arith.constant 0 : i32
    %scan3A_22 = arith.constant 19 : i32
    %scan3A_23 = arith.addi %scan3A_21, %scan3A_22 : i32
    %scan3A_24 = arith.constant 1 : i32
    %scan3A_25 = scf.for %scan3A_96 = %scan3A_21 to %scan3A_23 step %scan3A_24 iter_args(%scan3A_97 = %scan3A_20) -> (i32)  : i32 {
      %mul3A_98 = arith.constant 51072 : i32
      %mul3A_99 = arith.muli %arg1, %mul3A_98 : i32
      %add3A_100 = arith.constant 0 : i32
      %add3A_101 = arith.addi %add3A_100, %mul3A_99 : i32
      %mul3A_102 = arith.constant 2688 : i32
      %mul3A_103 = arith.muli %scan3A_96, %mul3A_102 : i32
      %add3A_104 = arith.addi %add3A_101, %mul3A_103 : i32
      %dma_wait3A = tpu.memref_slice %arg10[%add3A_104] : memref<1638400xf32, #tpu.memory_space<vmem_shared>> -> memref<2688xf32, #tpu.memory_space<vmem_shared>>
      %dma_wait3A_105 = tpu.memref_slice %arg10[%add3A_104] : memref<1638400xf32, #tpu.memory_space<vmem_shared>> -> memref<2688xf32, #tpu.memory_space<vmem_shared>>
      tpu.wait_dma2 semaphore(%arg13 : memref<!tpu.dma_semaphore, #tpu.memory_space<semaphore_mem>>) src(%arg9 : memref<2688xf32, #tpu.memory_space<vmem>>) dst(%dma_wait3A_105 : memref<2688xf32, #tpu.memory_space<vmem_shared>>)
      %scan3A_106 = arith.constant 0 : i32
      scf.yield %scan3A_106 : i32
    }
    %scan3A_26 = arith.constant 19 : i32
    %scan3A_27 = arith.constant 0 : i32
    %scan3A_28 = arith.constant 0 : i32
    %scan3A_29 = arith.constant 19 : i32
    %scan3A_30 = arith.addi %scan3A_28, %scan3A_29 : i32
    %scan3A_31 = arith.constant 1 : i32
    %scan3A_32 = scf.for %scan3A_96 = %scan3A_28 to %scan3A_30 step %scan3A_31 iter_args(%scan3A_97 = %scan3A_27) -> (i32)  : i32 {
      %mul3A_98 = arith.constant 51072 : i32
      %mul3A_99 = arith.muli %arg1, %mul3A_98 : i32
      %add3A_100 = arith.constant 819200 : i32
      %add3A_101 = arith.addi %add3A_100, %mul3A_99 : i32
      %mul3A_102 = arith.constant 2688 : i32
      %mul3A_103 = arith.muli %scan3A_96, %mul3A_102 : i32
      %add3A_104 = arith.addi %add3A_101, %mul3A_103 : i32
      %dma_wait3A = tpu.memref_slice %arg10[%add3A_104] : memref<1638400xf32, #tpu.memory_space<vmem_shared>> -> memref<2688xf32, #tpu.memory_space<vmem_shared>>
      %dma_wait3A_105 = tpu.memref_slice %arg10[%add3A_104] : memref<1638400xf32, #tpu.memory_space<vmem_shared>> -> memref<2688xf32, #tpu.memory_space<vmem_shared>>
      tpu.wait_dma2 semaphore(%arg13 : memref<!tpu.dma_semaphore, #tpu.memory_space<semaphore_mem>>) src(%arg9 : memref<2688xf32, #tpu.memory_space<vmem>>) dst(%dma_wait3A_105 : memref<2688xf32, #tpu.memory_space<vmem_shared>>)
      %scan3A_106 = arith.constant 0 : i32
      scf.yield %scan3A_106 : i32
    }
    %scan3A_33 = arith.constant 19 : i32
    %barrier3A = arith.constant 0 : index
    tpu.barrier barrier_id(%barrier3A)
    %scan3A_34 = arith.constant 0 : i32
    %scan3A_35 = arith.constant 0 : i32
    %scan3A_36 = arith.constant 24 : i32
    %scan3A_37 = arith.addi %scan3A_35, %scan3A_36 : i32
    %scan3A_38 = arith.constant 1 : i32
    %scan3A_39 = scf.for %scan3A_96 = %scan3A_35 to %scan3A_37 step %scan3A_38 iter_args(%scan3A_97 = %scan3A_34) -> (i32)  : i32 {
      %mul3A_98 = arith.constant 2 : i32
      %mul3A_99 = arith.muli %scan3A_96, %mul3A_98 : i32
      %add3A_100 = arith.addi %mul3A_99, %arg0 : i32
      %jit3A_101 = arith.constant 6 : i32
      %div3A_102 = arith.divsi %add3A_100, %jit3A_101 : i32
      %sign3A_103 = arith.constant 0 : i32
      %sign3A_104 = arith.cmpi sgt, %add3A_100, %sign3A_103 : i32
      %sign3A_105 = arith.extui %sign3A_104 : i1 to i32
      %sign3A_106 = arith.constant 0 : i32
      %sign3A_107 = arith.cmpi slt, %add3A_100, %sign3A_106 : i32
      %sign3A_108 = arith.extui %sign3A_107 : i1 to i32
      %sign3A_109 = arith.subi %sign3A_105, %sign3A_108 : i32
      %sign3A_110 = arith.constant 0 : i32
      %sign3A_111 = arith.cmpi sgt, %jit3A_101, %sign3A_110 : i32
      %sign3A_112 = arith.extui %sign3A_111 : i1 to i32
      %sign3A_113 = arith.constant 0 : i32
      %sign3A_114 = arith.cmpi slt, %jit3A_101, %sign3A_113 : i32
      %sign3A_115 = arith.extui %sign3A_114 : i1 to i32
      %sign3A_116 = arith.subi %sign3A_112, %sign3A_115 : i32
      %ne3A_117 = arith.cmpi ne, %sign3A_109, %sign3A_116 : i32
      %rem3A_118 = arith.remsi %add3A_100, %jit3A_101 : i32
      %ne3A_119 = arith.constant 0 : i32
      %ne3A_120 = arith.cmpi ne, %rem3A_118, %ne3A_119 : i32
      %and3A_121 = arith.andi %ne3A_117, %ne3A_120 : i1
      %sub3A_122 = arith.constant 1 : i32
      %sub3A_123 = arith.subi %div3A_102, %sub3A_122 : i32
      %select_n3A_124 = arith.select %and3A_121, %sub3A_123, %div3A_102 : i32
      %jit3A_125 = arith.constant 6 : i32
      %eq3A_126 = arith.constant 0 : i32
      %eq3A_127 = arith.cmpi eq, %jit3A_125, %eq3A_126 : i32
      %jit3A_128 = arith.constant 1 : i32
      %select_n3A_129 = arith.select %eq3A_127, %jit3A_128, %jit3A_125 : i32
      %rem3A_130 = arith.remsi %add3A_100, %select_n3A_129 : i32
      %ne3A_131 = arith.constant 0 : i32
      %ne3A_132 = arith.cmpi ne, %rem3A_130, %ne3A_131 : i32
      %lt3A_133 = arith.constant 0 : i32
      %lt3A_134 = arith.cmpi slt, %rem3A_130, %lt3A_133 : i32
      %lt3A_135 = arith.constant 0 : i32
      %lt3A_136 = arith.cmpi slt, %select_n3A_129, %lt3A_135 : i32
      %ne3A_137 = arith.xori %lt3A_134, %lt3A_136 : i1
      %and3A_138 = arith.andi %ne3A_137, %ne3A_132 : i1
      %add3A_139 = arith.addi %rem3A_130, %select_n3A_129 : i32
      %select_n3A_140 = arith.select %and3A_138, %add3A_139, %rem3A_130 : i32
      %rem3A_141 = arith.constant 2 : i32
      %rem3A_142 = arith.remsi %scan3A_96, %rem3A_141 : i32
      %mul3A_143 = arith.constant 819200 : i32
      %mul3A_144 = arith.muli %rem3A_142, %mul3A_143 : i32
      %lt3A_145 = arith.constant 4 : i32
      %lt3A_146 = arith.cmpi slt, %select_n3A_140, %lt3A_145 : i32
      %mul3A_147 = arith.constant 38 : i32
      %mul3A_148 = arith.muli %select_n3A_140, %mul3A_147 : i32
      %sub3A_149 = arith.constant 4 : i32
      %sub3A_150 = arith.subi %select_n3A_140, %sub3A_149 : i32
      %mul3A_151 = arith.constant 36 : i32
      %mul3A_152 = arith.muli %sub3A_150, %mul3A_151 : i32
      %add3A_153 = arith.constant 152 : i32
      %add3A_154 = arith.addi %add3A_153, %mul3A_152 : i32
      %select_n3A_155 = arith.select %lt3A_146, %mul3A_148, %add3A_154 : i32
      %mul3A_156 = arith.constant 21504 : i32
      %mul3A_157 = arith.muli %select_n3A_155, %mul3A_156 : i32
      %sub3A_158 = arith.constant 1 : i32
      %sub3A_159 = arith.subi %scan3A_96, %sub3A_158 : i32
      %mul3A_160 = arith.constant 2 : i32
      %mul3A_161 = arith.muli %sub3A_159, %mul3A_160 : i32
      %add3A_162 = arith.addi %mul3A_161, %arg0 : i32
      %jit3A_163 = arith.constant 6 : i32
      %div3A_164 = arith.divsi %add3A_162, %jit3A_163 : i32
      %sign3A_165 = arith.constant 0 : i32
      %sign3A_166 = arith.cmpi sgt, %add3A_162, %sign3A_165 : i32
      %sign3A_167 = arith.extui %sign3A_166 : i1 to i32
      %sign3A_168 = arith.constant 0 : i32
      %sign3A_169 = arith.cmpi slt, %add3A_162, %sign3A_168 : i32
      %sign3A_170 = arith.extui %sign3A_169 : i1 to i32
      %sign3A_171 = arith.subi %sign3A_167, %sign3A_170 : i32
      %sign3A_172 = arith.constant 0 : i32
      %sign3A_173 = arith.cmpi sgt, %jit3A_163, %sign3A_172 : i32
      %sign3A_174 = arith.extui %sign3A_173 : i1 to i32
      %sign3A_175 = arith.constant 0 : i32
      %sign3A_176 = arith.cmpi slt, %jit3A_163, %sign3A_175 : i32
      %sign3A_177 = arith.extui %sign3A_176 : i1 to i32
      %sign3A_178 = arith.subi %sign3A_174, %sign3A_177 : i32
      %ne3A_179 = arith.cmpi ne, %sign3A_171, %sign3A_178 : i32
      %rem3A_180 = arith.remsi %add3A_162, %jit3A_163 : i32
      %ne3A_181 = arith.constant 0 : i32
      %ne3A_182 = arith.cmpi ne, %rem3A_180, %ne3A_181 : i32
      %and3A_183 = arith.andi %ne3A_179, %ne3A_182 : i1
      %sub3A_184 = arith.constant 1 : i32
      %sub3A_185 = arith.subi %div3A_164, %sub3A_184 : i32
      %select_n3A_186 = arith.select %and3A_183, %sub3A_185, %div3A_164 : i32
      %jit3A_187 = arith.constant 6 : i32
      %eq3A_188 = arith.constant 0 : i32
      %eq3A_189 = arith.cmpi eq, %jit3A_187, %eq3A_188 : i32
      %jit3A_190 = arith.constant 1 : i32
      %select_n3A_191 = arith.select %eq3A_189, %jit3A_190, %jit3A_187 : i32
      %rem3A_192 = arith.remsi %add3A_162, %select_n3A_191 : i32
      %ne3A_193 = arith.constant 0 : i32
      %ne3A_194 = arith.cmpi ne, %rem3A_192, %ne3A_193 : i32
      %lt3A_195 = arith.constant 0 : i32
      %lt3A_196 = arith.cmpi slt, %rem3A_192, %lt3A_195 : i32
      %lt3A_197 = arith.constant 0 : i32
      %lt3A_198 = arith.cmpi slt, %select_n3A_191, %lt3A_197 : i32
      %ne3A_199 = arith.xori %lt3A_196, %lt3A_198 : i1
      %and3A_200 = arith.andi %ne3A_199, %ne3A_194 : i1
      %add3A_201 = arith.addi %rem3A_192, %select_n3A_191 : i32
      %select_n3A_202 = arith.select %and3A_200, %add3A_201, %rem3A_192 : i32
      %rem3A_203 = arith.constant 2 : i32
      %rem3A_204 = arith.remsi %sub3A_159, %rem3A_203 : i32
      %mul3A_205 = arith.constant 819200 : i32
      %mul3A_206 = arith.muli %rem3A_204, %mul3A_205 : i32
      %lt3A_207 = arith.constant 4 : i32
      %lt3A_208 = arith.cmpi slt, %select_n3A_202, %lt3A_207 : i32
      %mul3A_209 = arith.constant 38 : i32
      %mul3A_210 = arith.muli %select_n3A_202, %mul3A_209 : i32
      %sub3A_211 = arith.constant 4 : i32
      %sub3A_212 = arith.subi %select_n3A_202, %sub3A_211 : i32
      %mul3A_213 = arith.constant 36 : i32
      %mul3A_214 = arith.muli %sub3A_212, %mul3A_213 : i32
      %add3A_215 = arith.constant 152 : i32
      %add3A_216 = arith.addi %add3A_215, %mul3A_214 : i32
      %select_n3A_217 = arith.select %lt3A_208, %mul3A_210, %add3A_216 : i32
      %mul3A_218 = arith.constant 21504 : i32
      %mul3A_219 = arith.muli %select_n3A_217, %mul3A_218 : i32
      %lt3A_220 = arith.constant 4 : i32
      %lt3A_221 = arith.cmpi slt, %select_n3A_140, %lt3A_220 : i32
      %jit3A_222 = arith.constant 817152 : i32
      %jit3A_223 = arith.constant 774144 : i32
      %select_n3A_224 = arith.select %lt3A_221, %jit3A_222, %jit3A_223 : i32
      %sub3A_225 = arith.subi %mul3A_157, %mul3A_144 : i32
      %add3A_226 = arith.addi %mul3A_144, %select_n3A_224 : i32
      %add3A_227 = arith.constant 817152 : i32
      %add3A_228 = arith.addi %mul3A_144, %add3A_227 : i32
      %mul3A_229 = arith.constant 1204224 : i32
      %mul3A_230 = arith.muli %select_n3A_124, %mul3A_229 : i32
      %mul3A_231 = arith.constant 75264 : i32
      %mul3A_232 = arith.muli %arg1, %mul3A_231 : i32
      %add3A_233 = arith.addi %mul3A_230, %mul3A_232 : i32
      %add3A_234 = arith.constant 0 : i32
      %add3A_235 = arith.addi %add3A_233, %add3A_234 : i32
      %dma_start3A = arith.constant 0 : i32
      %dma_start3A_236 = tpu.memref_slice %arg5[%dma_start3A] : memref<5376xi32, #tpu.memory_space<vmem>> -> memref<2688xi32, #tpu.memory_space<vmem>>
      %dma_start3A_237 = tpu.memref_slice %arg3[%add3A_235] : memref<9633792xi32, #tpu.memory_space<hbm>> -> memref<2688xi32, #tpu.memory_space<hbm>>
      %dma_start3A_238 = arith.constant 0 : i32
      %dma_start3A_239 = tpu.memref_slice %arg5[%dma_start3A_238] : memref<5376xi32, #tpu.memory_space<vmem>> -> memref<2688xi32, #tpu.memory_space<vmem>>
      %dma_start3A_240 = tpu.memref_slice %arg3[%add3A_235] : memref<9633792xi32, #tpu.memory_space<hbm>> -> memref<2688xi32, #tpu.memory_space<hbm>>
      tpu.enqueue_dma source(%dma_start3A_240 : memref<2688xi32, #tpu.memory_space<hbm>>) target(%dma_start3A_239 : memref<2688xi32, #tpu.memory_space<vmem>>) target_semaphore(%arg11 : memref<!tpu.dma_semaphore, #tpu.memory_space<semaphore_mem>>)
      %dma_start3A_241 = arith.constant 0 : i32
      %dma_start3A_242 = tpu.memref_slice %arg6[%dma_start3A_241] : memref<5376xf32, #tpu.memory_space<vmem>> -> memref<2688xf32, #tpu.memory_space<vmem>>
      %dma_start3A_243 = tpu.memref_slice %arg2[%add3A_235] : memref<9633792xf32, #tpu.memory_space<hbm>> -> memref<2688xf32, #tpu.memory_space<hbm>>
      %dma_start3A_244 = arith.constant 0 : i32
      %dma_start3A_245 = tpu.memref_slice %arg6[%dma_start3A_244] : memref<5376xf32, #tpu.memory_space<vmem>> -> memref<2688xf32, #tpu.memory_space<vmem>>
      %dma_start3A_246 = tpu.memref_slice %arg2[%add3A_235] : memref<9633792xf32, #tpu.memory_space<hbm>> -> memref<2688xf32, #tpu.memory_space<hbm>>
      tpu.enqueue_dma source(%dma_start3A_246 : memref<2688xf32, #tpu.memory_space<hbm>>) target(%dma_start3A_245 : memref<2688xf32, #tpu.memory_space<vmem>>) target_semaphore(%arg11 : memref<!tpu.dma_semaphore, #tpu.memory_space<semaphore_mem>>)
      %scan3A_247 = arith.constant 0 : i32
      %scan3A_248 = arith.constant 0 : i32
      %scan3A_249 = arith.constant 28 : i32
      %scan3A_250 = arith.addi %scan3A_248, %scan3A_249 : i32
      %scan3A_251 = arith.constant 1 : i32
      %scan3A_252 = scf.for %scan3A_282 = %scan3A_248 to %scan3A_250 step %scan3A_251 iter_args(%scan3A_283 = %scan3A_247) -> (i32)  : i32 {
        %rem3A_284 = arith.constant 2 : i32
        %rem3A_285 = arith.remsi %scan3A_282, %rem3A_284 : i32
        %sub3A_286 = arith.constant 1 : i32
        %sub3A_287 = arith.subi %sub3A_286, %rem3A_285 : i32
        %mul3A_288 = arith.constant 2688 : i32
        %mul3A_289 = arith.muli %scan3A_282, %mul3A_288 : i32
        %add3A_290 = arith.addi %add3A_233, %mul3A_289 : i32
        %mul3A_291 = arith.constant 2688 : i32
        %mul3A_292 = arith.muli %rem3A_285, %mul3A_291 : i32
        %dma_wait3A = tpu.memref_slice %arg5[%mul3A_292] : memref<5376xi32, #tpu.memory_space<vmem>> -> memref<2688xi32, #tpu.memory_space<vmem>>
        %dma_wait3A_293 = tpu.memref_slice %arg3[%add3A_290] : memref<9633792xi32, #tpu.memory_space<hbm>> -> memref<2688xi32, #tpu.memory_space<hbm>>
        %dma_wait3A_294 = tpu.memref_slice %arg5[%mul3A_292] : memref<5376xi32, #tpu.memory_space<vmem>> -> memref<2688xi32, #tpu.memory_space<vmem>>
        %dma_wait3A_295 = tpu.memref_slice %arg3[%add3A_290] : memref<9633792xi32, #tpu.memory_space<hbm>> -> memref<2688xi32, #tpu.memory_space<hbm>>
        tpu.wait_dma2 semaphore(%arg11 : memref<!tpu.dma_semaphore, #tpu.memory_space<semaphore_mem>>) src(%dma_wait3A_295 : memref<2688xi32, #tpu.memory_space<hbm>>) dst(%dma_wait3A_294 : memref<2688xi32, #tpu.memory_space<vmem>>)
        %mul3A_296 = arith.constant 2688 : i32
        %mul3A_297 = arith.muli %rem3A_285, %mul3A_296 : i32
        %dma_wait3A_298 = tpu.memref_slice %arg6[%mul3A_297] : memref<5376xf32, #tpu.memory_space<vmem>> -> memref<2688xf32, #tpu.memory_space<vmem>>
        %dma_wait3A_299 = tpu.memref_slice %arg2[%add3A_290] : memref<9633792xf32, #tpu.memory_space<hbm>> -> memref<2688xf32, #tpu.memory_space<hbm>>
        %dma_wait3A_300 = tpu.memref_slice %arg6[%mul3A_297] : memref<5376xf32, #tpu.memory_space<vmem>> -> memref<2688xf32, #tpu.memory_space<vmem>>
        %dma_wait3A_301 = tpu.memref_slice %arg2[%add3A_290] : memref<9633792xf32, #tpu.memory_space<hbm>> -> memref<2688xf32, #tpu.memory_space<hbm>>
        tpu.wait_dma2 semaphore(%arg11 : memref<!tpu.dma_semaphore, #tpu.memory_space<semaphore_mem>>) src(%dma_wait3A_301 : memref<2688xf32, #tpu.memory_space<hbm>>) dst(%dma_wait3A_300 : memref<2688xf32, #tpu.memory_space<vmem>>)
        %scan3A_302 = arith.constant 0 : i32
        %scan3A_303 = arith.constant 0 : i32
        %scan3A_304 = arith.constant 21 : i32
        %scan3A_305 = arith.addi %scan3A_303, %scan3A_304 : i32
        %scan3A_306 = arith.constant 1 : i32
        %scan3A_307 = scf.for %scan3A_517 = %scan3A_303 to %scan3A_305 step %scan3A_306 iter_args(%scan3A_518 = %scan3A_302) -> (i32)  : i32 {
          %mul3A_519 = arith.constant 2688 : i32
          %mul3A_520 = arith.muli %rem3A_285, %mul3A_519 : i32
          %mul3A_521 = arith.constant 128 : i32
          %mul3A_522 = arith.muli %scan3A_517, %mul3A_521 : i32
          %add3A_523 = arith.addi %mul3A_520, %mul3A_522 : i32
          %add3A_524 = arith.constant 0 : i32
          %add3A_525 = arith.addi %add3A_523, %add3A_524 : i32
          %get3A = arith.index_cast %add3A_525 : i32 to index
          %get3A_526 = tpu.vector_load %arg5[%get3A] {strides = array<i32>} : memref<5376xi32, #tpu.memory_space<vmem>>, vector<16xi32>,
          %sub3A_527 = vector.broadcast %sub3A_225 : i32 to vector<16xi32>
          %sub3A_528 = arith.subi %get3A_526, %sub3A_527 : vector<16xi32>
          %ge3A_529 = vector.broadcast %mul3A_144 : i32 to vector<16xi32>
          %ge3A_530 = arith.cmpi sge, %sub3A_528, %ge3A_529 : vector<16xi32>
          %lt3A_531 = vector.broadcast %add3A_226 : i32 to vector<16xi32>
          %lt3A_532 = arith.cmpi slt, %sub3A_528, %lt3A_531 : vector<16xi32>
          %and3A_533 = arith.andi %ge3A_530, %lt3A_532 : vector<16xi1>
          %get3A_534 = arith.index_cast %add3A_525 : i32 to index
          %get3A_535 = tpu.vector_load %arg6[%get3A_534] {strides = array<i32>} : memref<5376xf32, #tpu.memory_space<vmem>>, vector<16xf32>,
          %all_reduce_population_count3A = tpu.all_reduce %and3A_533 {dim = 0 : i64, kind = #tpu.reduction_kind<sum>} : vector<16xi1> -> vector<16xi32>
          %slice3A = vector.extract_strided_slice %all_reduce_population_count3A {offsets = [0], sizes = [1], strides = [1]} : vector<16xi32> to vector<1xi32>
          %squeeze3A = vector.extract %slice3A[0] : i32 from vector<1xi32>
          %mul3A_536 = arith.constant 2688 : i32
          %mul3A_537 = arith.muli %rem3A_285, %mul3A_536 : i32
          %mul3A_538 = arith.constant 128 : i32
          %mul3A_539 = arith.muli %scan3A_517, %mul3A_538 : i32
          %add3A_540 = arith.addi %mul3A_537, %mul3A_539 : i32
          %add3A_541 = arith.constant 16 : i32
          %add3A_542 = arith.addi %add3A_540, %add3A_541 : i32
          %get3A_543 = arith.index_cast %add3A_542 : i32 to index
          %get3A_544 = tpu.vector_load %arg5[%get3A_543] {strides = array<i32>} : memref<5376xi32, #tpu.memory_space<vmem>>, vector<16xi32>,
          %sub3A_545 = vector.broadcast %sub3A_225 : i32 to vector<16xi32>
          %sub3A_546 = arith.subi %get3A_544, %sub3A_545 : vector<16xi32>
          %ge3A_547 = vector.broadcast %mul3A_144 : i32 to vector<16xi32>
          %ge3A_548 = arith.cmpi sge, %sub3A_546, %ge3A_547 : vector<16xi32>
          %lt3A_549 = vector.broadcast %add3A_226 : i32 to vector<16xi32>
          %lt3A_550 = arith.cmpi slt, %sub3A_546, %lt3A_549 : vector<16xi32>
          %and3A_551 = arith.andi %ge3A_548, %lt3A_550 : vector<16xi1>
          %get3A_552 = arith.index_cast %add3A_542 : i32 to index
          %get3A_553 = tpu.vector_load %arg6[%get3A_552] {strides = array<i32>} : memref<5376xf32, #tpu.memory_space<vmem>>, vector<16xf32>,
          %all_reduce_population_count3A_554 = tpu.all_reduce %and3A_551 {dim = 0 : i64, kind = #tpu.reduction_kind<sum>} : vector<16xi1> -> vector<16xi32>
          %slice3A_555 = vector.extract_strided_slice %all_reduce_population_count3A_554 {offsets = [0], sizes = [1], strides = [1]} : vector<16xi32> to vector<1xi32>
          %squeeze3A_556 = vector.extract %slice3A_555[0] : i32 from vector<1xi32>
          %mul3A_557 = arith.constant 2688 : i32
          %mul3A_558 = arith.muli %rem3A_285, %mul3A_557 : i32
          %mul3A_559 = arith.constant 128 : i32
          %mul3A_560 = arith.muli %scan3A_517, %mul3A_559 : i32
          %add3A_561 = arith.addi %mul3A_558, %mul3A_560 : i32
          %add3A_562 = arith.constant 32 : i32
          %add3A_563 = arith.addi %add3A_561, %add3A_562 : i32
          %get3A_564 = arith.index_cast %add3A_563 : i32 to index
          %get3A_565 = tpu.vector_load %arg5[%get3A_564] {strides = array<i32>} : memref<5376xi32, #tpu.memory_space<vmem>>, vector<16xi32>,
          %sub3A_566 = vector.broadcast %sub3A_225 : i32 to vector<16xi32>
          %sub3A_567 = arith.subi %get3A_565, %sub3A_566 : vector<16xi32>
          %ge3A_568 = vector.broadcast %mul3A_144 : i32 to vector<16xi32>
          %ge3A_569 = arith.cmpi sge, %sub3A_567, %ge3A_568 : vector<16xi32>
          %lt3A_570 = vector.broadcast %add3A_226 : i32 to vector<16xi32>
          %lt3A_571 = arith.cmpi slt, %sub3A_567, %lt3A_570 : vector<16xi32>
          %and3A_572 = arith.andi %ge3A_569, %lt3A_571 : vector<16xi1>
          %get3A_573 = arith.index_cast %add3A_563 : i32 to index
          %get3A_574 = tpu.vector_load %arg6[%get3A_573] {strides = array<i32>} : memref<5376xf32, #tpu.memory_space<vmem>>, vector<16xf32>,
          %all_reduce_population_count3A_575 = tpu.all_reduce %and3A_572 {dim = 0 : i64, kind = #tpu.reduction_kind<sum>} : vector<16xi1> -> vector<16xi32>
          %slice3A_576 = vector.extract_strided_slice %all_reduce_population_count3A_575 {offsets = [0], sizes = [1], strides = [1]} : vector<16xi32> to vector<1xi32>
          %squeeze3A_577 = vector.extract %slice3A_576[0] : i32 from vector<1xi32>
          %mul3A_578 = arith.constant 2688 : i32
          %mul3A_579 = arith.muli %rem3A_285, %mul3A_578 : i32
          %mul3A_580 = arith.constant 128 : i32
          %mul3A_581 = arith.muli %scan3A_517, %mul3A_580 : i32
          %add3A_582 = arith.addi %mul3A_579, %mul3A_581 : i32
          %add3A_583 = arith.constant 48 : i32
          %add3A_584 = arith.addi %add3A_582, %add3A_583 : i32
          %get3A_585 = arith.index_cast %add3A_584 : i32 to index
          %get3A_586 = tpu.vector_load %arg5[%get3A_585] {strides = array<i32>} : memref<5376xi32, #tpu.memory_space<vmem>>, vector<16xi32>,
          %sub3A_587 = vector.broadcast %sub3A_225 : i32 to vector<16xi32>
          %sub3A_588 = arith.subi %get3A_586, %sub3A_587 : vector<16xi32>
          %ge3A_589 = vector.broadcast %mul3A_144 : i32 to vector<16xi32>
          %ge3A_590 = arith.cmpi sge, %sub3A_588, %ge3A_589 : vector<16xi32>
          %lt3A_591 = vector.broadcast %add3A_226 : i32 to vector<16xi32>
          %lt3A_592 = arith.cmpi slt, %sub3A_588, %lt3A_591 : vector<16xi32>
          %and3A_593 = arith.andi %ge3A_590, %lt3A_592 : vector<16xi1>
          %get3A_594 = arith.index_cast %add3A_584 : i32 to index
          %get3A_595 = tpu.vector_load %arg6[%get3A_594] {strides = array<i32>} : memref<5376xf32, #tpu.memory_space<vmem>>, vector<16xf32>,
          %all_reduce_population_count3A_596 = tpu.all_reduce %and3A_593 {dim = 0 : i64, kind = #tpu.reduction_kind<sum>} : vector<16xi1> -> vector<16xi32>
          %slice3A_597 = vector.extract_strided_slice %all_reduce_population_count3A_596 {offsets = [0], sizes = [1], strides = [1]} : vector<16xi32> to vector<1xi32>
          %squeeze3A_598 = vector.extract %slice3A_597[0] : i32 from vector<1xi32>
          %mul3A_599 = arith.constant 2688 : i32
          %mul3A_600 = arith.muli %rem3A_285, %mul3A_599 : i32
          %mul3A_601 = arith.constant 128 : i32
          %mul3A_602 = arith.muli %scan3A_517, %mul3A_601 : i32
          %add3A_603 = arith.addi %mul3A_600, %mul3A_602 : i32
          %add3A_604 = arith.constant 64 : i32
          %add3A_605 = arith.addi %add3A_603, %add3A_604 : i32
          %get3A_606 = arith.index_cast %add3A_605 : i32 to index
          %get3A_607 = tpu.vector_load %arg5[%get3A_606] {strides = array<i32>} : memref<5376xi32, #tpu.memory_space<vmem>>, vector<16xi32>,
          %sub3A_608 = vector.broadcast %sub3A_225 : i32 to vector<16xi32>
          %sub3A_609 = arith.subi %get3A_607, %sub3A_608 : vector<16xi32>
          %ge3A_610 = vector.broadcast %mul3A_144 : i32 to vector<16xi32>
          %ge3A_611 = arith.cmpi sge, %sub3A_609, %ge3A_610 : vector<16xi32>
          %lt3A_612 = vector.broadcast %add3A_226 : i32 to vector<16xi32>
          %lt3A_613 = arith.cmpi slt, %sub3A_609, %lt3A_612 : vector<16xi32>
          %and3A_614 = arith.andi %ge3A_611, %lt3A_613 : vector<16xi1>
          %get3A_615 = arith.index_cast %add3A_605 : i32 to index
          %get3A_616 = tpu.vector_load %arg6[%get3A_615] {strides = array<i32>} : memref<5376xf32, #tpu.memory_space<vmem>>, vector<16xf32>,
          %all_reduce_population_count3A_617 = tpu.all_reduce %and3A_614 {dim = 0 : i64, kind = #tpu.reduction_kind<sum>} : vector<16xi1> -> vector<16xi32>
          %slice3A_618 = vector.extract_strided_slice %all_reduce_population_count3A_617 {offsets = [0], sizes = [1], strides = [1]} : vector<16xi32> to vector<1xi32>
          %squeeze3A_619 = vector.extract %slice3A_618[0] : i32 from vector<1xi32>
          %mul3A_620 = arith.constant 2688 : i32
          %mul3A_621 = arith.muli %rem3A_285, %mul3A_620 : i32
          %mul3A_622 = arith.constant 128 : i32
          %mul3A_623 = arith.muli %scan3A_517, %mul3A_622 : i32
          %add3A_624 = arith.addi %mul3A_621, %mul3A_623 : i32
          %add3A_625 = arith.constant 80 : i32
          %add3A_626 = arith.addi %add3A_624, %add3A_625 : i32
          %get3A_627 = arith.index_cast %add3A_626 : i32 to index
          %get3A_628 = tpu.vector_load %arg5[%get3A_627] {strides = array<i32>} : memref<5376xi32, #tpu.memory_space<vmem>>, vector<16xi32>,
          %sub3A_629 = vector.broadcast %sub3A_225 : i32 to vector<16xi32>
          %sub3A_630 = arith.subi %get3A_628, %sub3A_629 : vector<16xi32>
          %ge3A_631 = vector.broadcast %mul3A_144 : i32 to vector<16xi32>
          %ge3A_632 = arith.cmpi sge, %sub3A_630, %ge3A_631 : vector<16xi32>
          %lt3A_633 = vector.broadcast %add3A_226 : i32 to vector<16xi32>
          %lt3A_634 = arith.cmpi slt, %sub3A_630, %lt3A_633 : vector<16xi32>
          %and3A_635 = arith.andi %ge3A_632, %lt3A_634 : vector<16xi1>
          %get3A_636 = arith.index_cast %add3A_626 : i32 to index
          %get3A_637 = tpu.vector_load %arg6[%get3A_636] {strides = array<i32>} : memref<5376xf32, #tpu.memory_space<vmem>>, vector<16xf32>,
          %all_reduce_population_count3A_638 = tpu.all_reduce %and3A_635 {dim = 0 : i64, kind = #tpu.reduction_kind<sum>} : vector<16xi1> -> vector<16xi32>
          %slice3A_639 = vector.extract_strided_slice %all_reduce_population_count3A_638 {offsets = [0], sizes = [1], strides = [1]} : vector<16xi32> to vector<1xi32>
          %squeeze3A_640 = vector.extract %slice3A_639[0] : i32 from vector<1xi32>
          %mul3A_641 = arith.constant 2688 : i32
          %mul3A_642 = arith.muli %rem3A_285, %mul3A_641 : i32
          %mul3A_643 = arith.constant 128 : i32
          %mul3A_644 = arith.muli %scan3A_517, %mul3A_643 : i32
          %add3A_645 = arith.addi %mul3A_642, %mul3A_644 : i32
          %add3A_646 = arith.constant 96 : i32
          %add3A_647 = arith.addi %add3A_645, %add3A_646 : i32
          %get3A_648 = arith.index_cast %add3A_647 : i32 to index
          %get3A_649 = tpu.vector_load %arg5[%get3A_648] {strides = array<i32>} : memref<5376xi32, #tpu.memory_space<vmem>>, vector<16xi32>,
          %sub3A_650 = vector.broadcast %sub3A_225 : i32 to vector<16xi32>
          %sub3A_651 = arith.subi %get3A_649, %sub3A_650 : vector<16xi32>
          %ge3A_652 = vector.broadcast %mul3A_144 : i32 to vector<16xi32>
          %ge3A_653 = arith.cmpi sge, %sub3A_651, %ge3A_652 : vector<16xi32>
          %lt3A_654 = vector.broadcast %add3A_226 : i32 to vector<16xi32>
          %lt3A_655 = arith.cmpi slt, %sub3A_651, %lt3A_654 : vector<16xi32>
          %and3A_656 = arith.andi %ge3A_653, %lt3A_655 : vector<16xi1>
          %get3A_657 = arith.index_cast %add3A_647 : i32 to index
          %get3A_658 = tpu.vector_load %arg6[%get3A_657] {strides = array<i32>} : memref<5376xf32, #tpu.memory_space<vmem>>, vector<16xf32>,
          %all_reduce_population_count3A_659 = tpu.all_reduce %and3A_656 {dim = 0 : i64, kind = #tpu.reduction_kind<sum>} : vector<16xi1> -> vector<16xi32>
          %slice3A_660 = vector.extract_strided_slice %all_reduce_population_count3A_659 {offsets = [0], sizes = [1], strides = [1]} : vector<16xi32> to vector<1xi32>
          %squeeze3A_661 = vector.extract %slice3A_660[0] : i32 from vector<1xi32>
          %mul3A_662 = arith.constant 2688 : i32
          %mul3A_663 = arith.muli %rem3A_285, %mul3A_662 : i32
          %mul3A_664 = arith.constant 128 : i32
          %mul3A_665 = arith.muli %scan3A_517, %mul3A_664 : i32
          %add3A_666 = arith.addi %mul3A_663, %mul3A_665 : i32
          %add3A_667 = arith.constant 112 : i32
          %add3A_668 = arith.addi %add3A_666, %add3A_667 : i32
          %get3A_669 = arith.index_cast %add3A_668 : i32 to index
          %get3A_670 = tpu.vector_load %arg5[%get3A_669] {strides = array<i32>} : memref<5376xi32, #tpu.memory_space<vmem>>, vector<16xi32>,
          %sub3A_671 = vector.broadcast %sub3A_225 : i32 to vector<16xi32>
          %sub3A_672 = arith.subi %get3A_670, %sub3A_671 : vector<16xi32>
          %ge3A_673 = vector.broadcast %mul3A_144 : i32 to vector<16xi32>
          %ge3A_674 = arith.cmpi sge, %sub3A_672, %ge3A_673 : vector<16xi32>
          %lt3A_675 = vector.broadcast %add3A_226 : i32 to vector<16xi32>
          %lt3A_676 = arith.cmpi slt, %sub3A_672, %lt3A_675 : vector<16xi32>
          %and3A_677 = arith.andi %ge3A_674, %lt3A_676 : vector<16xi1>
          %get3A_678 = arith.index_cast %add3A_668 : i32 to index
          %get3A_679 = tpu.vector_load %arg6[%get3A_678] {strides = array<i32>} : memref<5376xf32, #tpu.memory_space<vmem>>, vector<16xf32>,
          %all_reduce_population_count3A_680 = tpu.all_reduce %and3A_677 {dim = 0 : i64, kind = #tpu.reduction_kind<sum>} : vector<16xi1> -> vector<16xi32>
          %slice3A_681 = vector.extract_strided_slice %all_reduce_population_count3A_680 {offsets = [0], sizes = [1], strides = [1]} : vector<16xi32> to vector<1xi32>
          %squeeze3A_682 = vector.extract %slice3A_681[0] : i32 from vector<1xi32>
          %add3A_683 = arith.addi %scan3A_518, %squeeze3A : i32
          %add3A_684 = arith.addi %add3A_683, %squeeze3A_556 : i32
          %add3A_685 = arith.addi %add3A_684, %squeeze3A_577 : i32
          %add3A_686 = arith.addi %add3A_685, %squeeze3A_598 : i32
          %add3A_687 = arith.addi %add3A_686, %squeeze3A_619 : i32
          %add3A_688 = arith.addi %add3A_687, %squeeze3A_640 : i32
          %add3A_689 = arith.addi %add3A_688, %squeeze3A_661 : i32
          %add3A_690 = arith.addi %add3A_689, %squeeze3A_682 : i32
          %mul3A_691 = arith.constant 2816 : i32
          %mul3A_692 = arith.muli %rem3A_285, %mul3A_691 : i32
          %add3A_693 = arith.addi %mul3A_692, %scan3A_518 : i32
          %swap3A_694 = arith.index_cast %add3A_693 : i32 to index
          %swap3A_695 = tpu.vector_load %arg7[%swap3A_694] masked %and3A_533 {strides = array<i32>} : memref<5632xi32, #tpu.memory_space<vmem>>, vector<16xi32>, vector<16xi1>
          tpu.vector_store %arg7[%swap3A_694], %sub3A_528 masked %and3A_533 {strides = array<i32>} : memref<5632xi32, #tpu.memory_space<vmem>>, vector<16xi32>, vector<16xi1>
          %mul3A_696 = arith.constant 2688 : i32
          %mul3A_697 = arith.muli %rem3A_285, %mul3A_696 : i32
          %add3A_698 = arith.addi %mul3A_697, %scan3A_518 : i32
          %swap3A_699 = arith.index_cast %add3A_698 : i32 to index
          %swap3A_700 = tpu.vector_load %arg8[%swap3A_699] masked %and3A_533 {strides = array<i32>} : memref<5376xf32, #tpu.memory_space<vmem>>, vector<16xf32>, vector<16xi1>
          tpu.vector_store %arg8[%swap3A_699], %get3A_535 masked %and3A_533 {strides = array<i32>} : memref<5376xf32, #tpu.memory_space<vmem>>, vector<16xf32>, vector<16xi1>
          %mul3A_701 = arith.constant 2816 : i32
          %mul3A_702 = arith.muli %rem3A_285, %mul3A_701 : i32
          %add3A_703 = arith.addi %mul3A_702, %add3A_683 : i32
          %swap3A_704 = arith.index_cast %add3A_703 : i32 to index
          %swap3A_705 = tpu.vector_load %arg7[%swap3A_704] masked %and3A_551 {strides = array<i32>} : memref<5632xi32, #tpu.memory_space<vmem>>, vector<16xi32>, vector<16xi1>
          tpu.vector_store %arg7[%swap3A_704], %sub3A_546 masked %and3A_551 {strides = array<i32>} : memref<5632xi32, #tpu.memory_space<vmem>>, vector<16xi32>, vector<16xi1>
          %mul3A_706 = arith.constant 2688 : i32
          %mul3A_707 = arith.muli %rem3A_285, %mul3A_706 : i32
          %add3A_708 = arith.addi %mul3A_707, %add3A_683 : i32
          %swap3A_709 = arith.index_cast %add3A_708 : i32 to index
          %swap3A_710 = tpu.vector_load %arg8[%swap3A_709] masked %and3A_551 {strides = array<i32>} : memref<5376xf32, #tpu.memory_space<vmem>>, vector<16xf32>, vector<16xi1>
          tpu.vector_store %arg8[%swap3A_709], %get3A_553 masked %and3A_551 {strides = array<i32>} : memref<5376xf32, #tpu.memory_space<vmem>>, vector<16xf32>, vector<16xi1>
          %mul3A_711 = arith.constant 2816 : i32
          %mul3A_712 = arith.muli %rem3A_285, %mul3A_711 : i32
          %add3A_713 = arith.addi %mul3A_712, %add3A_684 : i32
          %swap3A_714 = arith.index_cast %add3A_713 : i32 to index
          %swap3A_715 = tpu.vector_load %arg7[%swap3A_714] masked %and3A_572 {strides = array<i32>} : memref<5632xi32, #tpu.memory_space<vmem>>, vector<16xi32>, vector<16xi1>
          tpu.vector_store %arg7[%swap3A_714], %sub3A_567 masked %and3A_572 {strides = array<i32>} : memref<5632xi32, #tpu.memory_space<vmem>>, vector<16xi32>, vector<16xi1>
          %mul3A_716 = arith.constant 2688 : i32
          %mul3A_717 = arith.muli %rem3A_285, %mul3A_716 : i32
          %add3A_718 = arith.addi %mul3A_717, %add3A_684 : i32
          %swap3A_719 = arith.index_cast %add3A_718 : i32 to index
          %swap3A_720 = tpu.vector_load %arg8[%swap3A_719] masked %and3A_572 {strides = array<i32>} : memref<5376xf32, #tpu.memory_space<vmem>>, vector<16xf32>, vector<16xi1>
          tpu.vector_store %arg8[%swap3A_719], %get3A_574 masked %and3A_572 {strides = array<i32>} : memref<5376xf32, #tpu.memory_space<vmem>>, vector<16xf32>, vector<16xi1>
          %mul3A_721 = arith.constant 2816 : i32
          %mul3A_722 = arith.muli %rem3A_285, %mul3A_721 : i32
          %add3A_723 = arith.addi %mul3A_722, %add3A_685 : i32
          %swap3A_724 = arith.index_cast %add3A_723 : i32 to index
          %swap3A_725 = tpu.vector_load %arg7[%swap3A_724] masked %and3A_593 {strides = array<i32>} : memref<5632xi32, #tpu.memory_space<vmem>>, vector<16xi32>, vector<16xi1>
          tpu.vector_store %arg7[%swap3A_724], %sub3A_588 masked %and3A_593 {strides = array<i32>} : memref<5632xi32, #tpu.memory_space<vmem>>, vector<16xi32>, vector<16xi1>
          %mul3A_726 = arith.constant 2688 : i32
          %mul3A_727 = arith.muli %rem3A_285, %mul3A_726 : i32
          %add3A_728 = arith.addi %mul3A_727, %add3A_685 : i32
          %swap3A_729 = arith.index_cast %add3A_728 : i32 to index
          %swap3A_730 = tpu.vector_load %arg8[%swap3A_729] masked %and3A_593 {strides = array<i32>} : memref<5376xf32, #tpu.memory_space<vmem>>, vector<16xf32>, vector<16xi1>
          tpu.vector_store %arg8[%swap3A_729], %get3A_595 masked %and3A_593 {strides = array<i32>} : memref<5376xf32, #tpu.memory_space<vmem>>, vector<16xf32>, vector<16xi1>
          %mul3A_731 = arith.constant 2816 : i32
          %mul3A_732 = arith.muli %rem3A_285, %mul3A_731 : i32
          %add3A_733 = arith.addi %mul3A_732, %add3A_686 : i32
          %swap3A_734 = arith.index_cast %add3A_733 : i32 to index
          %swap3A_735 = tpu.vector_load %arg7[%swap3A_734] masked %and3A_614 {strides = array<i32>} : memref<5632xi32, #tpu.memory_space<vmem>>, vector<16xi32>, vector<16xi1>
          tpu.vector_store %arg7[%swap3A_734], %sub3A_609 masked %and3A_614 {strides = array<i32>} : memref<5632xi32, #tpu.memory_space<vmem>>, vector<16xi32>, vector<16xi1>
          %mul3A_736 = arith.constant 2688 : i32
          %mul3A_737 = arith.muli %rem3A_285, %mul3A_736 : i32
          %add3A_738 = arith.addi %mul3A_737, %add3A_686 : i32
          %swap3A_739 = arith.index_cast %add3A_738 : i32 to index
          %swap3A_740 = tpu.vector_load %arg8[%swap3A_739] masked %and3A_614 {strides = array<i32>} : memref<5376xf32, #tpu.memory_space<vmem>>, vector<16xf32>, vector<16xi1>
          tpu.vector_store %arg8[%swap3A_739], %get3A_616 masked %and3A_614 {strides = array<i32>} : memref<5376xf32, #tpu.memory_space<vmem>>, vector<16xf32>, vector<16xi1>
          %mul3A_741 = arith.constant 2816 : i32
          %mul3A_742 = arith.muli %rem3A_285, %mul3A_741 : i32
          %add3A_743 = arith.addi %mul3A_742, %add3A_687 : i32
          %swap3A_744 = arith.index_cast %add3A_743 : i32 to index
          %swap3A_745 = tpu.vector_load %arg7[%swap3A_744] masked %and3A_635 {strides = array<i32>} : memref<5632xi32, #tpu.memory_space<vmem>>, vector<16xi32>, vector<16xi1>
          tpu.vector_store %arg7[%swap3A_744], %sub3A_630 masked %and3A_635 {strides = array<i32>} : memref<5632xi32, #tpu.memory_space<vmem>>, vector<16xi32>, vector<16xi1>
          %mul3A_746 = arith.constant 2688 : i32
          %mul3A_747 = arith.muli %rem3A_285, %mul3A_746 : i32
          %add3A_748 = arith.addi %mul3A_747, %add3A_687 : i32
          %swap3A_749 = arith.index_cast %add3A_748 : i32 to index
          %swap3A_750 = tpu.vector_load %arg8[%swap3A_749] masked %and3A_635 {strides = array<i32>} : memref<5376xf32, #tpu.memory_space<vmem>>, vector<16xf32>, vector<16xi1>
          tpu.vector_store %arg8[%swap3A_749], %get3A_637 masked %and3A_635 {strides = array<i32>} : memref<5376xf32, #tpu.memory_space<vmem>>, vector<16xf32>, vector<16xi1>
          %mul3A_751 = arith.constant 2816 : i32
          %mul3A_752 = arith.muli %rem3A_285, %mul3A_751 : i32
          %add3A_753 = arith.addi %mul3A_752, %add3A_688 : i32
          %swap3A_754 = arith.index_cast %add3A_753 : i32 to index
          %swap3A_755 = tpu.vector_load %arg7[%swap3A_754] masked %and3A_656 {strides = array<i32>} : memref<5632xi32, #tpu.memory_space<vmem>>, vector<16xi32>, vector<16xi1>
          tpu.vector_store %arg7[%swap3A_754], %sub3A_651 masked %and3A_656 {strides = array<i32>} : memref<5632xi32, #tpu.memory_space<vmem>>, vector<16xi32>, vector<16xi1>
          %mul3A_756 = arith.constant 2688 : i32
          %mul3A_757 = arith.muli %rem3A_285, %mul3A_756 : i32
          %add3A_758 = arith.addi %mul3A_757, %add3A_688 : i32
          %swap3A_759 = arith.index_cast %add3A_758 : i32 to index
          %swap3A_760 = tpu.vector_load %arg8[%swap3A_759] masked %and3A_656 {strides = array<i32>} : memref<5376xf32, #tpu.memory_space<vmem>>, vector<16xf32>, vector<16xi1>
          tpu.vector_store %arg8[%swap3A_759], %get3A_658 masked %and3A_656 {strides = array<i32>} : memref<5376xf32, #tpu.memory_space<vmem>>, vector<16xf32>, vector<16xi1>
          %mul3A_761 = arith.constant 2816 : i32
          %mul3A_762 = arith.muli %rem3A_285, %mul3A_761 : i32
          %add3A_763 = arith.addi %mul3A_762, %add3A_689 : i32
          %swap3A_764 = arith.index_cast %add3A_763 : i32 to index
          %swap3A_765 = tpu.vector_load %arg7[%swap3A_764] masked %and3A_677 {strides = array<i32>} : memref<5632xi32, #tpu.memory_space<vmem>>, vector<16xi32>, vector<16xi1>
          tpu.vector_store %arg7[%swap3A_764], %sub3A_672 masked %and3A_677 {strides = array<i32>} : memref<5632xi32, #tpu.memory_space<vmem>>, vector<16xi32>, vector<16xi1>
          %mul3A_766 = arith.constant 2688 : i32
          %mul3A_767 = arith.muli %rem3A_285, %mul3A_766 : i32
          %add3A_768 = arith.addi %mul3A_767, %add3A_689 : i32
          %swap3A_769 = arith.index_cast %add3A_768 : i32 to index
          %swap3A_770 = tpu.vector_load %arg8[%swap3A_769] masked %and3A_677 {strides = array<i32>} : memref<5376xf32, #tpu.memory_space<vmem>>, vector<16xf32>, vector<16xi1>
          tpu.vector_store %arg8[%swap3A_769], %get3A_679 masked %and3A_677 {strides = array<i32>} : memref<5376xf32, #tpu.memory_space<vmem>>, vector<16xf32>, vector<16xi1>
          scf.yield %add3A_690 : i32
        }
        %scan3A_308 = arith.constant 21 : i32
        %mul3A_309 = arith.constant 256 : i32
        %mul3A_310 = arith.muli %scan3A_282, %mul3A_309 : i32
        %add3A_311 = arith.constant 0 : i32
        %add3A_312 = arith.addi %mul3A_310, %add3A_311 : i32
        %mul3A_313 = arith.constant 64 : i32
        %mul3A_314 = arith.muli %arg1, %mul3A_313 : i32
        %add3A_315 = arith.addi %add3A_312, %mul3A_314 : i32
        %and3A_316 = arith.constant 2032 : i32
        %and3A_317 = arith.andi %add3A_315, %and3A_316 : i32
        %add3A_318 = arith.addi %add3A_228, %and3A_317 : i32
        %add3A_319 = vector.broadcast %add3A_318 : i32 to vector<16xi32>
        %add3A_320 = arith.addi %add3A_319, %iota3A : vector<16xi32>
        %mul3A_321 = arith.constant 2816 : i32
        %mul3A_322 = arith.muli %rem3A_285, %mul3A_321 : i32
        %add3A_323 = arith.addi %mul3A_322, %scan3A_307 : i32
        %add3A_324 = arith.constant 0 : i32
        %add3A_325 = arith.addi %add3A_323, %add3A_324 : i32
        %swap3A = arith.index_cast %add3A_325 : i32 to index
        %swap3A_326 = tpu.vector_load %arg7[%swap3A] {strides = array<i32>} : memref<5632xi32, #tpu.memory_space<vmem>>, vector<16xi32>,
        tpu.vector_store %arg7[%swap3A], %add3A_320 {strides = array<i32>} : memref<5632xi32, #tpu.memory_space<vmem>>, vector<16xi32>,
        %mul3A_327 = arith.constant 256 : i32
        %mul3A_328 = arith.muli %scan3A_282, %mul3A_327 : i32
        %add3A_329 = arith.constant 16 : i32
        %add3A_330 = arith.addi %mul3A_328, %add3A_329 : i32
        %mul3A_331 = arith.constant 64 : i32
        %mul3A_332 = arith.muli %arg1, %mul3A_331 : i32
        %add3A_333 = arith.addi %add3A_330, %mul3A_332 : i32
        %and3A_334 = arith.constant 2032 : i32
        %and3A_335 = arith.andi %add3A_333, %and3A_334 : i32
        %add3A_336 = arith.addi %add3A_228, %and3A_335 : i32
        %add3A_337 = vector.broadcast %add3A_336 : i32 to vector<16xi32>
        %add3A_338 = arith.addi %add3A_337, %iota3A : vector<16xi32>
        %mul3A_339 = arith.constant 2816 : i32
        %mul3A_340 = arith.muli %rem3A_285, %mul3A_339 : i32
        %add3A_341 = arith.addi %mul3A_340, %scan3A_307 : i32
        %add3A_342 = arith.constant 16 : i32
        %add3A_343 = arith.addi %add3A_341, %add3A_342 : i32
        %swap3A_344 = arith.index_cast %add3A_343 : i32 to index
        %swap3A_345 = tpu.vector_load %arg7[%swap3A_344] {strides = array<i32>} : memref<5632xi32, #tpu.memory_space<vmem>>, vector<16xi32>,
        tpu.vector_store %arg7[%swap3A_344], %add3A_338 {strides = array<i32>} : memref<5632xi32, #tpu.memory_space<vmem>>, vector<16xi32>,
        %mul3A_346 = arith.constant 256 : i32
        %mul3A_347 = arith.muli %scan3A_282, %mul3A_346 : i32
        %add3A_348 = arith.constant 32 : i32
        %add3A_349 = arith.addi %mul3A_347, %add3A_348 : i32
        %mul3A_350 = arith.constant 64 : i32
        %mul3A_351 = arith.muli %arg1, %mul3A_350 : i32
        %add3A_352 = arith.addi %add3A_349, %mul3A_351 : i32
        %and3A_353 = arith.constant 2032 : i32
        %and3A_354 = arith.andi %add3A_352, %and3A_353 : i32
        %add3A_355 = arith.addi %add3A_228, %and3A_354 : i32
        %add3A_356 = vector.broadcast %add3A_355 : i32 to vector<16xi32>
        %add3A_357 = arith.addi %add3A_356, %iota3A : vector<16xi32>
        %mul3A_358 = arith.constant 2816 : i32
        %mul3A_359 = arith.muli %rem3A_285, %mul3A_358 : i32
        %add3A_360 = arith.addi %mul3A_359, %scan3A_307 : i32
        %add3A_361 = arith.constant 32 : i32
        %add3A_362 = arith.addi %add3A_360, %add3A_361 : i32
        %swap3A_363 = arith.index_cast %add3A_362 : i32 to index
        %swap3A_364 = tpu.vector_load %arg7[%swap3A_363] {strides = array<i32>} : memref<5632xi32, #tpu.memory_space<vmem>>, vector<16xi32>,
        tpu.vector_store %arg7[%swap3A_363], %add3A_357 {strides = array<i32>} : memref<5632xi32, #tpu.memory_space<vmem>>, vector<16xi32>,
        %mul3A_365 = arith.constant 256 : i32
        %mul3A_366 = arith.muli %scan3A_282, %mul3A_365 : i32
        %add3A_367 = arith.constant 48 : i32
        %add3A_368 = arith.addi %mul3A_366, %add3A_367 : i32
        %mul3A_369 = arith.constant 64 : i32
        %mul3A_370 = arith.muli %arg1, %mul3A_369 : i32
        %add3A_371 = arith.addi %add3A_368, %mul3A_370 : i32
        %and3A_372 = arith.constant 2032 : i32
        %and3A_373 = arith.andi %add3A_371, %and3A_372 : i32
        %add3A_374 = arith.addi %add3A_228, %and3A_373 : i32
        %add3A_375 = vector.broadcast %add3A_374 : i32 to vector<16xi32>
        %add3A_376 = arith.addi %add3A_375, %iota3A : vector<16xi32>
        %mul3A_377 = arith.constant 2816 : i32
        %mul3A_378 = arith.muli %rem3A_285, %mul3A_377 : i32
        %add3A_379 = arith.addi %mul3A_378, %scan3A_307 : i32
        %add3A_380 = arith.constant 48 : i32
        %add3A_381 = arith.addi %add3A_379, %add3A_380 : i32
        %swap3A_382 = arith.index_cast %add3A_381 : i32 to index
        %swap3A_383 = tpu.vector_load %arg7[%swap3A_382] {strides = array<i32>} : memref<5632xi32, #tpu.memory_space<vmem>>, vector<16xi32>,
        tpu.vector_store %arg7[%swap3A_382], %add3A_376 {strides = array<i32>} : memref<5632xi32, #tpu.memory_space<vmem>>, vector<16xi32>,
        %mul3A_384 = arith.constant 256 : i32
        %mul3A_385 = arith.muli %scan3A_282, %mul3A_384 : i32
        %add3A_386 = arith.constant 64 : i32
        %add3A_387 = arith.addi %mul3A_385, %add3A_386 : i32
        %mul3A_388 = arith.constant 64 : i32
        %mul3A_389 = arith.muli %arg1, %mul3A_388 : i32
        %add3A_390 = arith.addi %add3A_387, %mul3A_389 : i32
        %and3A_391 = arith.constant 2032 : i32
        %and3A_392 = arith.andi %add3A_390, %and3A_391 : i32
        %add3A_393 = arith.addi %add3A_228, %and3A_392 : i32
        %add3A_394 = vector.broadcast %add3A_393 : i32 to vector<16xi32>
        %add3A_395 = arith.addi %add3A_394, %iota3A : vector<16xi32>
        %mul3A_396 = arith.constant 2816 : i32
        %mul3A_397 = arith.muli %rem3A_285, %mul3A_396 : i32
        %add3A_398 = arith.addi %mul3A_397, %scan3A_307 : i32
        %add3A_399 = arith.constant 64 : i32
        %add3A_400 = arith.addi %add3A_398, %add3A_399 : i32
        %swap3A_401 = arith.index_cast %add3A_400 : i32 to index
        %swap3A_402 = tpu.vector_load %arg7[%swap3A_401] {strides = array<i32>} : memref<5632xi32, #tpu.memory_space<vmem>>, vector<16xi32>,
        tpu.vector_store %arg7[%swap3A_401], %add3A_395 {strides = array<i32>} : memref<5632xi32, #tpu.memory_space<vmem>>, vector<16xi32>,
        %mul3A_403 = arith.constant 256 : i32
        %mul3A_404 = arith.muli %scan3A_282, %mul3A_403 : i32
        %add3A_405 = arith.constant 80 : i32
        %add3A_406 = arith.addi %mul3A_404, %add3A_405 : i32
        %mul3A_407 = arith.constant 64 : i32
        %mul3A_408 = arith.muli %arg1, %mul3A_407 : i32
        %add3A_409 = arith.addi %add3A_406, %mul3A_408 : i32
        %and3A_410 = arith.constant 2032 : i32
        %and3A_411 = arith.andi %add3A_409, %and3A_410 : i32
        %add3A_412 = arith.addi %add3A_228, %and3A_411 : i32
        %add3A_413 = vector.broadcast %add3A_412 : i32 to vector<16xi32>
        %add3A_414 = arith.addi %add3A_413, %iota3A : vector<16xi32>
        %mul3A_415 = arith.constant 2816 : i32
        %mul3A_416 = arith.muli %rem3A_285, %mul3A_415 : i32
        %add3A_417 = arith.addi %mul3A_416, %scan3A_307 : i32
        %add3A_418 = arith.constant 80 : i32
        %add3A_419 = arith.addi %add3A_417, %add3A_418 : i32
        %swap3A_420 = arith.index_cast %add3A_419 : i32 to index
        %swap3A_421 = tpu.vector_load %arg7[%swap3A_420] {strides = array<i32>} : memref<5632xi32, #tpu.memory_space<vmem>>, vector<16xi32>,
        tpu.vector_store %arg7[%swap3A_420], %add3A_414 {strides = array<i32>} : memref<5632xi32, #tpu.memory_space<vmem>>, vector<16xi32>,
        %mul3A_422 = arith.constant 256 : i32
        %mul3A_423 = arith.muli %scan3A_282, %mul3A_422 : i32
        %add3A_424 = arith.constant 96 : i32
        %add3A_425 = arith.addi %mul3A_423, %add3A_424 : i32
        %mul3A_426 = arith.constant 64 : i32
        %mul3A_427 = arith.muli %arg1, %mul3A_426 : i32
        %add3A_428 = arith.addi %add3A_425, %mul3A_427 : i32
        %and3A_429 = arith.constant 2032 : i32
        %and3A_430 = arith.andi %add3A_428, %and3A_429 : i32
        %add3A_431 = arith.addi %add3A_228, %and3A_430 : i32
        %add3A_432 = vector.broadcast %add3A_431 : i32 to vector<16xi32>
        %add3A_433 = arith.addi %add3A_432, %iota3A : vector<16xi32>
        %mul3A_434 = arith.constant 2816 : i32
        %mul3A_435 = arith.muli %rem3A_285, %mul3A_434 : i32
        %add3A_436 = arith.addi %mul3A_435, %scan3A_307 : i32
        %add3A_437 = arith.constant 96 : i32
        %add3A_438 = arith.addi %add3A_436, %add3A_437 : i32
        %swap3A_439 = arith.index_cast %add3A_438 : i32 to index
        %swap3A_440 = tpu.vector_load %arg7[%swap3A_439] {strides = array<i32>} : memref<5632xi32, #tpu.memory_space<vmem>>, vector<16xi32>,
        tpu.vector_store %arg7[%swap3A_439], %add3A_433 {strides = array<i32>} : memref<5632xi32, #tpu.memory_space<vmem>>, vector<16xi32>,
        %mul3A_441 = arith.constant 256 : i32
        %mul3A_442 = arith.muli %scan3A_282, %mul3A_441 : i32
        %add3A_443 = arith.constant 112 : i32
        %add3A_444 = arith.addi %mul3A_442, %add3A_443 : i32
        %mul3A_445 = arith.constant 64 : i32
        %mul3A_446 = arith.muli %arg1, %mul3A_445 : i32
        %add3A_447 = arith.addi %add3A_444, %mul3A_446 : i32
        %and3A_448 = arith.constant 2032 : i32
        %and3A_449 = arith.andi %add3A_447, %and3A_448 : i32
        %add3A_450 = arith.addi %add3A_228, %and3A_449 : i32
        %add3A_451 = vector.broadcast %add3A_450 : i32 to vector<16xi32>
        %add3A_452 = arith.addi %add3A_451, %iota3A : vector<16xi32>
        %mul3A_453 = arith.constant 2816 : i32
        %mul3A_454 = arith.muli %rem3A_285, %mul3A_453 : i32
        %add3A_455 = arith.addi %mul3A_454, %scan3A_307 : i32
        %add3A_456 = arith.constant 112 : i32
        %add3A_457 = arith.addi %add3A_455, %add3A_456 : i32
        %swap3A_458 = arith.index_cast %add3A_457 : i32 to index
        %swap3A_459 = tpu.vector_load %arg7[%swap3A_458] {strides = array<i32>} : memref<5632xi32, #tpu.memory_space<vmem>>, vector<16xi32>,
        tpu.vector_store %arg7[%swap3A_458], %add3A_452 {strides = array<i32>} : memref<5632xi32, #tpu.memory_space<vmem>>, vector<16xi32>,
        %add3A_460 = arith.constant 127 : i32
        %add3A_461 = arith.addi %scan3A_307, %add3A_460 : i32
        %jit3A_462 = arith.constant 128 : i32
        %div3A_463 = arith.divsi %add3A_461, %jit3A_462 : i32
        %sign3A_464 = arith.constant 0 : i32
        %sign3A_465 = arith.cmpi sgt, %add3A_461, %sign3A_464 : i32
        %sign3A_466 = arith.extui %sign3A_465 : i1 to i32
        %sign3A_467 = arith.constant 0 : i32
        %sign3A_468 = arith.cmpi slt, %add3A_461, %sign3A_467 : i32
        %sign3A_469 = arith.extui %sign3A_468 : i1 to i32
        %sign3A_470 = arith.subi %sign3A_466, %sign3A_469 : i32
        %sign3A_471 = arith.constant 0 : i32
        %sign3A_472 = arith.cmpi sgt, %jit3A_462, %sign3A_471 : i32
        %sign3A_473 = arith.extui %sign3A_472 : i1 to i32
        %sign3A_474 = arith.constant 0 : i32
        %sign3A_475 = arith.cmpi slt, %jit3A_462, %sign3A_474 : i32
        %sign3A_476 = arith.extui %sign3A_475 : i1 to i32
        %sign3A_477 = arith.subi %sign3A_473, %sign3A_476 : i32
        %ne3A_478 = arith.cmpi ne, %sign3A_470, %sign3A_477 : i32
        %rem3A_479 = arith.remsi %add3A_461, %jit3A_462 : i32
        %ne3A_480 = arith.constant 0 : i32
        %ne3A_481 = arith.cmpi ne, %rem3A_479, %ne3A_480 : i32
        %and3A_482 = arith.andi %ne3A_478, %ne3A_481 : i1
        %sub3A_483 = arith.constant 1 : i32
        %sub3A_484 = arith.subi %div3A_463, %sub3A_483 : i32
        %select_n3A_485 = arith.select %and3A_482, %sub3A_484, %div3A_463 : i32
        %gt3A = arith.constant 0 : i32
        %gt3A_486 = arith.cmpi sgt, %scan3A_282, %gt3A : i32
        %convert_element_type3A_487 = arith.extui %gt3A_486 : i1 to i32
        %cond3A_488 = arith.constant 0 : i32
        %cond3A_489 = arith.cmpi ne, %convert_element_type3A_487, %cond3A_488 : i32
        scf.if %cond3A_489 {
          %while3A_517 = arith.constant 0 : i32
          %while3A_518 = arith.constant 0 : i32
          %while3A_519 = arith.subi %scan3A_283, %while3A_517 : i32
          %while3A_520 = arith.addi %while3A_517, %while3A_519 : i32
          %while3A_521 = arith.constant 1 : i32
          %while3A_522 = arith.divsi %while3A_519, %while3A_521 : i32
          %while3A_523 = arith.muli %while3A_522, %while3A_521 : i32
          %while3A_524 = arith.addi %while3A_517, %while3A_523 : i32
          %while3A_525 = arith.constant 1 : i32
          %while3A_526 = scf.for %while3A_529 = %while3A_517 to %while3A_524 step %while3A_525 iter_args(%while3A_530 = %while3A_518) -> (i32)  : i32 {
            %mul3A_531 = arith.constant 2688 : i32
            %mul3A_532 = arith.muli %sub3A_287, %mul3A_531 : i32
            %mul3A_533 = arith.constant 128 : i32
            %mul3A_534 = arith.muli %while3A_529, %mul3A_533 : i32
            %add3A_535 = arith.addi %mul3A_532, %mul3A_534 : i32
            %mul3A_536 = arith.constant 2816 : i32
            %mul3A_537 = arith.muli %sub3A_287, %mul3A_536 : i32
            %mul3A_538 = arith.constant 128 : i32
            %mul3A_539 = arith.muli %while3A_529, %mul3A_538 : i32
            %add3A_540 = arith.addi %mul3A_537, %mul3A_539 : i32
            %dma_wait3A_541 = tpu.memref_slice %arg8[%add3A_535] : memref<5376xf32, #tpu.memory_space<vmem>> -> memref<128xf32, #tpu.memory_space<vmem>>
            %dma_wait3A_542 = tpu.memref_slice %arg7[%add3A_540] : memref<5632xi32, #tpu.memory_space<vmem>> -> memref<128xi32, #tpu.memory_space<vmem>>
            %dma_wait3A_543 = arith.constant 0 : i32
            %dma_wait3A_544 = tpu.memref_slice %arg10[%dma_wait3A_543] : memref<1638400xf32, #tpu.memory_space<vmem_shared>> -> memref<1638400xf32, #tpu.memory_space<vmem_shared>>
            tpu.wait_indirect_dma semaphore(%arg12 : memref<!tpu.dma_semaphore, #tpu.memory_space<semaphore_mem>>) src(%dma_wait3A_541 : memref<128xf32, #tpu.memory_space<vmem>>) dst(%dma_wait3A_544 : memref<1638400xf32, #tpu.memory_space<vmem_shared>>)
            %while3A_545 = arith.constant 0 : i32
            scf.yield %while3A_545 : i32
          }
          %while3A_527 = arith.constant 1 : i32
          %while3A_528 = scf.for %while3A_529 = %while3A_524 to %while3A_520 step %while3A_527 iter_args(%while3A_530 = %while3A_526) -> (i32)  : i32 {
            %mul3A_531 = arith.constant 2688 : i32
            %mul3A_532 = arith.muli %sub3A_287, %mul3A_531 : i32
            %mul3A_533 = arith.constant 128 : i32
            %mul3A_534 = arith.muli %while3A_529, %mul3A_533 : i32
            %add3A_535 = arith.addi %mul3A_532, %mul3A_534 : i32
            %mul3A_536 = arith.constant 2816 : i32
            %mul3A_537 = arith.muli %sub3A_287, %mul3A_536 : i32
            %mul3A_538 = arith.constant 128 : i32
            %mul3A_539 = arith.muli %while3A_529, %mul3A_538 : i32
            %add3A_540 = arith.addi %mul3A_537, %mul3A_539 : i32
            %dma_wait3A_541 = tpu.memref_slice %arg8[%add3A_535] : memref<5376xf32, #tpu.memory_space<vmem>> -> memref<128xf32, #tpu.memory_space<vmem>>
            %dma_wait3A_542 = tpu.memref_slice %arg7[%add3A_540] : memref<5632xi32, #tpu.memory_space<vmem>> -> memref<128xi32, #tpu.memory_space<vmem>>
            %dma_wait3A_543 = arith.constant 0 : i32
            %dma_wait3A_544 = tpu.memref_slice %arg10[%dma_wait3A_543] : memref<1638400xf32, #tpu.memory_space<vmem_shared>> -> memref<1638400xf32, #tpu.memory_space<vmem_shared>>
            tpu.wait_indirect_dma semaphore(%arg12 : memref<!tpu.dma_semaphore, #tpu.memory_space<semaphore_mem>>) src(%dma_wait3A_541 : memref<128xf32, #tpu.memory_space<vmem>>) dst(%dma_wait3A_544 : memref<1638400xf32, #tpu.memory_space<vmem_shared>>)
            %while3A_545 = arith.constant 0 : i32
            scf.yield %while3A_545 : i32
          }
        } else {
        }
        %while3A_490 = arith.constant 0 : i32
        %while3A_491 = arith.constant 0 : i32
        %while3A_492 = arith.subi %select_n3A_485, %while3A_490 : i32
        %while3A_493 = arith.addi %while3A_490, %while3A_492 : i32
        %while3A_494 = arith.constant 1 : i32
        %while3A_495 = arith.divsi %while3A_492, %while3A_494 : i32
        %while3A_496 = arith.muli %while3A_495, %while3A_494 : i32
        %while3A_497 = arith.addi %while3A_490, %while3A_496 : i32
        %while3A_498 = arith.constant 1 : i32
        %while3A_499 = scf.for %while3A_517 = %while3A_490 to %while3A_497 step %while3A_498 iter_args(%while3A_518 = %while3A_491) -> (i32)  : i32 {
          %mul3A_519 = arith.constant 2688 : i32
          %mul3A_520 = arith.muli %rem3A_285, %mul3A_519 : i32
          %mul3A_521 = arith.constant 128 : i32
          %mul3A_522 = arith.muli %while3A_517, %mul3A_521 : i32
          %add3A_523 = arith.addi %mul3A_520, %mul3A_522 : i32
          %mul3A_524 = arith.constant 2816 : i32
          %mul3A_525 = arith.muli %rem3A_285, %mul3A_524 : i32
          %mul3A_526 = arith.constant 128 : i32
          %mul3A_527 = arith.muli %while3A_517, %mul3A_526 : i32
          %add3A_528 = arith.addi %mul3A_525, %mul3A_527 : i32
          %dma_start3A_529 = tpu.memref_slice %arg8[%add3A_523] : memref<5376xf32, #tpu.memory_space<vmem>> -> memref<128xf32, #tpu.memory_space<vmem>>
          %dma_start3A_530 = tpu.memref_slice %arg7[%add3A_528] : memref<5632xi32, #tpu.memory_space<vmem>> -> memref<128xi32, #tpu.memory_space<vmem>>
          %dma_start3A_531 = arith.constant 0 : i32
          %dma_start3A_532 = tpu.memref_slice %arg10[%dma_start3A_531] : memref<1638400xf32, #tpu.memory_space<vmem_shared>> -> memref<1638400xf32, #tpu.memory_space<vmem_shared>>
          tpu.enqueue_indirect_dma source(%dma_start3A_529 : memref<128xf32, #tpu.memory_space<vmem>>) target(%dma_start3A_532 : memref<1638400xf32, #tpu.memory_space<vmem_shared>>) offsets(%dma_start3A_530 : memref<128xi32, #tpu.memory_space<vmem>>) semaphore(%arg12 : memref<!tpu.dma_semaphore, #tpu.memory_space<semaphore_mem>>) {add = true}
          %while3A_533 = arith.constant 0 : i32
          scf.yield %while3A_533 : i32
        }
        %while3A_500 = arith.constant 1 : i32
        %while3A_501 = scf.for %while3A_517 = %while3A_497 to %while3A_493 step %while3A_500 iter_args(%while3A_518 = %while3A_499) -> (i32)  : i32 {
          %mul3A_519 = arith.constant 2688 : i32
          %mul3A_520 = arith.muli %rem3A_285, %mul3A_519 : i32
          %mul3A_521 = arith.constant 128 : i32
          %mul3A_522 = arith.muli %while3A_517, %mul3A_521 : i32
          %add3A_523 = arith.addi %mul3A_520, %mul3A_522 : i32
          %mul3A_524 = arith.constant 2816 : i32
          %mul3A_525 = arith.muli %rem3A_285, %mul3A_524 : i32
          %mul3A_526 = arith.constant 128 : i32
          %mul3A_527 = arith.muli %while3A_517, %mul3A_526 : i32
          %add3A_528 = arith.addi %mul3A_525, %mul3A_527 : i32
          %dma_start3A_529 = tpu.memref_slice %arg8[%add3A_523] : memref<5376xf32, #tpu.memory_space<vmem>> -> memref<128xf32, #tpu.memory_space<vmem>>
          %dma_start3A_530 = tpu.memref_slice %arg7[%add3A_528] : memref<5632xi32, #tpu.memory_space<vmem>> -> memref<128xi32, #tpu.memory_space<vmem>>
          %dma_start3A_531 = arith.constant 0 : i32
          %dma_start3A_532 = tpu.memref_slice %arg10[%dma_start3A_531] : memref<1638400xf32, #tpu.memory_space<vmem_shared>> -> memref<1638400xf32, #tpu.memory_space<vmem_shared>>
          tpu.enqueue_indirect_dma source(%dma_start3A_529 : memref<128xf32, #tpu.memory_space<vmem>>) target(%dma_start3A_532 : memref<1638400xf32, #tpu.memory_space<vmem_shared>>) offsets(%dma_start3A_530 : memref<128xi32, #tpu.memory_space<vmem>>) semaphore(%arg12 : memref<!tpu.dma_semaphore, #tpu.memory_space<semaphore_mem>>) {add = true}
          %while3A_533 = arith.constant 0 : i32
          scf.yield %while3A_533 : i32
        }
        %add3A_502 = arith.constant 1 : i32
        %add3A_503 = arith.addi %scan3A_282, %add3A_502 : i32
        %lt3A_504 = arith.constant 28 : i32
        %lt3A_505 = arith.cmpi slt, %add3A_503, %lt3A_504 : i32
        %convert_element_type3A_506 = arith.extui %lt3A_505 : i1 to i32
        %cond3A_507 = arith.constant 0 : i32
        %cond3A_508 = arith.cmpi ne, %convert_element_type3A_506, %cond3A_507 : i32
        scf.if %cond3A_508 {
          %add3A_517 = arith.constant 1 : i32
          %add3A_518 = arith.addi %scan3A_282, %add3A_517 : i32
          %mul3A_519 = arith.constant 2688 : i32
          %mul3A_520 = arith.muli %add3A_518, %mul3A_519 : i32
          %add3A_521 = arith.addi %add3A_233, %mul3A_520 : i32
          %mul3A_522 = arith.constant 2688 : i32
          %mul3A_523 = arith.muli %sub3A_287, %mul3A_522 : i32
          %dma_start3A_524 = tpu.memref_slice %arg5[%mul3A_523] : memref<5376xi32, #tpu.memory_space<vmem>> -> memref<2688xi32, #tpu.memory_space<vmem>>
          %dma_start3A_525 = tpu.memref_slice %arg3[%add3A_521] : memref<9633792xi32, #tpu.memory_space<hbm>> -> memref<2688xi32, #tpu.memory_space<hbm>>
          %dma_start3A_526 = tpu.memref_slice %arg5[%mul3A_523] : memref<5376xi32, #tpu.memory_space<vmem>> -> memref<2688xi32, #tpu.memory_space<vmem>>
          %dma_start3A_527 = tpu.memref_slice %arg3[%add3A_521] : memref<9633792xi32, #tpu.memory_space<hbm>> -> memref<2688xi32, #tpu.memory_space<hbm>>
          tpu.enqueue_dma source(%dma_start3A_527 : memref<2688xi32, #tpu.memory_space<hbm>>) target(%dma_start3A_526 : memref<2688xi32, #tpu.memory_space<vmem>>) target_semaphore(%arg11 : memref<!tpu.dma_semaphore, #tpu.memory_space<semaphore_mem>>)
          %mul3A_528 = arith.constant 2688 : i32
          %mul3A_529 = arith.muli %sub3A_287, %mul3A_528 : i32
          %dma_start3A_530 = tpu.memref_slice %arg6[%mul3A_529] : memref<5376xf32, #tpu.memory_space<vmem>> -> memref<2688xf32, #tpu.memory_space<vmem>>
          %dma_start3A_531 = tpu.memref_slice %arg2[%add3A_521] : memref<9633792xf32, #tpu.memory_space<hbm>> -> memref<2688xf32, #tpu.memory_space<hbm>>
          %dma_start3A_532 = tpu.memref_slice %arg6[%mul3A_529] : memref<5376xf32, #tpu.memory_space<vmem>> -> memref<2688xf32, #tpu.memory_space<vmem>>
          %dma_start3A_533 = tpu.memref_slice %arg2[%add3A_521] : memref<9633792xf32, #tpu.memory_space<hbm>> -> memref<2688xf32, #tpu.memory_space<hbm>>
          tpu.enqueue_dma source(%dma_start3A_533 : memref<2688xf32, #tpu.memory_space<hbm>>) target(%dma_start3A_532 : memref<2688xf32, #tpu.memory_space<vmem>>) target_semaphore(%arg11 : memref<!tpu.dma_semaphore, #tpu.memory_space<semaphore_mem>>)
        } else {
        }
        %eq3A_509 = arith.constant 8 : i32
        %eq3A_510 = arith.cmpi eq, %scan3A_282, %eq3A_509 : i32
        %ge3A_511 = arith.constant 1 : i32
        %ge3A_512 = arith.cmpi sge, %scan3A_96, %ge3A_511 : i32
        %and3A_513 = arith.andi %eq3A_510, %ge3A_512 : i1
        %convert_element_type3A_514 = arith.extui %and3A_513 : i1 to i32
        %cond3A_515 = arith.constant 0 : i32
        %cond3A_516 = arith.cmpi ne, %convert_element_type3A_514, %cond3A_515 : i32
        scf.if %cond3A_516 {
          %lt3A_517 = arith.constant 4 : i32
          %lt3A_518 = arith.cmpi slt, %select_n3A_202, %lt3A_517 : i32
          %convert_element_type3A_519 = arith.extui %lt3A_518 : i1 to i32
          %cond3A_520 = arith.constant 0 : i32
          %cond3A_521 = arith.cmpi ne, %convert_element_type3A_519, %cond3A_520 : i32
          scf.if %cond3A_521 {
            %mul3A_537 = arith.constant 51072 : i32
            %mul3A_538 = arith.muli %arg1, %mul3A_537 : i32
            %add3A_539 = arith.addi %mul3A_206, %mul3A_538 : i32
            %mul3A_540 = arith.constant 4816896 : i32
            %mul3A_541 = arith.muli %select_n3A_186, %mul3A_540 : i32
            %add3A_542 = arith.addi %mul3A_541, %mul3A_219 : i32
            %add3A_543 = arith.addi %add3A_542, %mul3A_538 : i32
            %dma_wait3A_544 = tpu.memref_slice %arg4[%add3A_543] : memref<38535168xf32, #tpu.memory_space<hbm>> -> memref<51072xf32, #tpu.memory_space<hbm>>
            %dma_wait3A_545 = tpu.memref_slice %arg10[%add3A_539] : memref<1638400xf32, #tpu.memory_space<vmem_shared>> -> memref<51072xf32, #tpu.memory_space<vmem_shared>>
            tpu.wait_dma2 semaphore(%arg14 : memref<!tpu.dma_semaphore, #tpu.memory_space<semaphore_mem>>) src(%dma_wait3A_545 : memref<51072xf32, #tpu.memory_space<vmem_shared>>) dst(%dma_wait3A_544 : memref<51072xf32, #tpu.memory_space<hbm>>)
          } else {
          }
          %ge3A_522 = arith.constant 4 : i32
          %ge3A_523 = arith.cmpi sge, %select_n3A_202, %ge3A_522 : i32
          %convert_element_type3A_524 = arith.extui %ge3A_523 : i1 to i32
          %cond3A_525 = arith.constant 0 : i32
          %cond3A_526 = arith.cmpi ne, %convert_element_type3A_524, %cond3A_525 : i32
          scf.if %cond3A_526 {
            %mul3A_537 = arith.constant 48384 : i32
            %mul3A_538 = arith.muli %arg1, %mul3A_537 : i32
            %add3A_539 = arith.addi %mul3A_206, %mul3A_538 : i32
            %mul3A_540 = arith.constant 4816896 : i32
            %mul3A_541 = arith.muli %select_n3A_186, %mul3A_540 : i32
            %add3A_542 = arith.addi %mul3A_541, %mul3A_219 : i32
            %add3A_543 = arith.addi %add3A_542, %mul3A_538 : i32
            %dma_wait3A_544 = tpu.memref_slice %arg4[%add3A_543] : memref<38535168xf32, #tpu.memory_space<hbm>> -> memref<48384xf32, #tpu.memory_space<hbm>>
            %dma_wait3A_545 = tpu.memref_slice %arg10[%add3A_539] : memref<1638400xf32, #tpu.memory_space<vmem_shared>> -> memref<48384xf32, #tpu.memory_space<vmem_shared>>
            tpu.wait_dma2 semaphore(%arg14 : memref<!tpu.dma_semaphore, #tpu.memory_space<semaphore_mem>>) src(%dma_wait3A_545 : memref<48384xf32, #tpu.memory_space<vmem_shared>>) dst(%dma_wait3A_544 : memref<48384xf32, #tpu.memory_space<hbm>>)
          } else {
          }
          %lt3A_527 = arith.constant 4 : i32
          %lt3A_528 = arith.cmpi slt, %select_n3A_202, %lt3A_527 : i32
          %convert_element_type3A_529 = arith.extui %lt3A_528 : i1 to i32
          %cond3A_530 = arith.constant 0 : i32
          %cond3A_531 = arith.cmpi ne, %convert_element_type3A_529, %cond3A_530 : i32
          scf.if %cond3A_531 {
            %scan3A_537 = arith.constant 0 : i32
            %scan3A_538 = arith.constant 0 : i32
            %scan3A_539 = arith.constant 19 : i32
            %scan3A_540 = arith.addi %scan3A_538, %scan3A_539 : i32
            %scan3A_541 = arith.constant 1 : i32
            %scan3A_542 = scf.for %scan3A_544 = %scan3A_538 to %scan3A_540 step %scan3A_541 iter_args(%scan3A_545 = %scan3A_537) -> (i32)  : i32 {
              %mul3A_546 = arith.constant 51072 : i32
              %mul3A_547 = arith.muli %arg1, %mul3A_546 : i32
              %add3A_548 = arith.addi %mul3A_206, %mul3A_547 : i32
              %mul3A_549 = arith.constant 2688 : i32
              %mul3A_550 = arith.muli %scan3A_544, %mul3A_549 : i32
              %add3A_551 = arith.addi %add3A_548, %mul3A_550 : i32
              %dma_start3A_552 = tpu.memref_slice %arg10[%add3A_551] : memref<1638400xf32, #tpu.memory_space<vmem_shared>> -> memref<2688xf32, #tpu.memory_space<vmem_shared>>
              %dma_start3A_553 = tpu.memref_slice %arg10[%add3A_551] : memref<1638400xf32, #tpu.memory_space<vmem_shared>> -> memref<2688xf32, #tpu.memory_space<vmem_shared>>
              tpu.enqueue_dma source(%arg9 : memref<2688xf32, #tpu.memory_space<vmem>>) target(%dma_start3A_553 : memref<2688xf32, #tpu.memory_space<vmem_shared>>) target_semaphore(%arg13 : memref<!tpu.dma_semaphore, #tpu.memory_space<semaphore_mem>>)
              %scan3A_554 = arith.constant 0 : i32
              scf.yield %scan3A_554 : i32
            }
            %scan3A_543 = arith.constant 19 : i32
          } else {
          }
          %ge3A_532 = arith.constant 4 : i32
          %ge3A_533 = arith.cmpi sge, %select_n3A_202, %ge3A_532 : i32
          %convert_element_type3A_534 = arith.extui %ge3A_533 : i1 to i32
          %cond3A_535 = arith.constant 0 : i32
          %cond3A_536 = arith.cmpi ne, %convert_element_type3A_534, %cond3A_535 : i32
          scf.if %cond3A_536 {
            %scan3A_537 = arith.constant 0 : i32
            %scan3A_538 = arith.constant 0 : i32
            %scan3A_539 = arith.constant 18 : i32
            %scan3A_540 = arith.addi %scan3A_538, %scan3A_539 : i32
            %scan3A_541 = arith.constant 1 : i32
            %scan3A_542 = scf.for %scan3A_551 = %scan3A_538 to %scan3A_540 step %scan3A_541 iter_args(%scan3A_552 = %scan3A_537) -> (i32)  : i32 {
              %mul3A_553 = arith.constant 48384 : i32
              %mul3A_554 = arith.muli %arg1, %mul3A_553 : i32
              %add3A_555 = arith.addi %mul3A_206, %mul3A_554 : i32
              %mul3A_556 = arith.constant 2688 : i32
              %mul3A_557 = arith.muli %scan3A_551, %mul3A_556 : i32
              %add3A_558 = arith.addi %add3A_555, %mul3A_557 : i32
              %dma_start3A_559 = tpu.memref_slice %arg10[%add3A_558] : memref<1638400xf32, #tpu.memory_space<vmem_shared>> -> memref<2688xf32, #tpu.memory_space<vmem_shared>>
              %dma_start3A_560 = tpu.memref_slice %arg10[%add3A_558] : memref<1638400xf32, #tpu.memory_space<vmem_shared>> -> memref<2688xf32, #tpu.memory_space<vmem_shared>>
              tpu.enqueue_dma source(%arg9 : memref<2688xf32, #tpu.memory_space<vmem>>) target(%dma_start3A_560 : memref<2688xf32, #tpu.memory_space<vmem_shared>>) target_semaphore(%arg13 : memref<!tpu.dma_semaphore, #tpu.memory_space<semaphore_mem>>)
              %scan3A_561 = arith.constant 0 : i32
              scf.yield %scan3A_561 : i32
            }
            %scan3A_543 = arith.constant 18 : i32
            %add3A_544 = arith.constant 774144 : i32
            %add3A_545 = arith.addi %mul3A_206, %add3A_544 : i32
            %mul3A_546 = arith.constant 2688 : i32
            %mul3A_547 = arith.muli %arg1, %mul3A_546 : i32
            %add3A_548 = arith.addi %add3A_545, %mul3A_547 : i32
            %dma_start3A_549 = tpu.memref_slice %arg10[%add3A_548] : memref<1638400xf32, #tpu.memory_space<vmem_shared>> -> memref<2688xf32, #tpu.memory_space<vmem_shared>>
            %dma_start3A_550 = tpu.memref_slice %arg10[%add3A_548] : memref<1638400xf32, #tpu.memory_space<vmem_shared>> -> memref<2688xf32, #tpu.memory_space<vmem_shared>>
            tpu.enqueue_dma source(%arg9 : memref<2688xf32, #tpu.memory_space<vmem>>) target(%dma_start3A_550 : memref<2688xf32, #tpu.memory_space<vmem_shared>>) target_semaphore(%arg13 : memref<!tpu.dma_semaphore, #tpu.memory_space<semaphore_mem>>)
          } else {
          }
        } else {
        }
        scf.yield %select_n3A_485 : i32
      }
      %scan3A_253 = arith.constant 28 : i32
      %while3A = arith.constant 0 : i32
      %while3A_254 = arith.constant 0 : i32
      %while3A_255 = arith.subi %scan3A_252, %while3A : i32
      %while3A_256 = arith.addi %while3A, %while3A_255 : i32
      %while3A_257 = arith.constant 1 : i32
      %while3A_258 = arith.divsi %while3A_255, %while3A_257 : i32
      %while3A_259 = arith.muli %while3A_258, %while3A_257 : i32
      %while3A_260 = arith.addi %while3A, %while3A_259 : i32
      %while3A_261 = arith.constant 1 : i32
      %while3A_262 = scf.for %while3A_282 = %while3A to %while3A_260 step %while3A_261 iter_args(%while3A_283 = %while3A_254) -> (i32)  : i32 {
        %mul3A_284 = arith.constant 128 : i32
        %mul3A_285 = arith.muli %while3A_282, %mul3A_284 : i32
        %add3A_286 = arith.constant 2688 : i32
        %add3A_287 = arith.addi %add3A_286, %mul3A_285 : i32
        %mul3A_288 = arith.constant 128 : i32
        %mul3A_289 = arith.muli %while3A_282, %mul3A_288 : i32
        %add3A_290 = arith.constant 2816 : i32
        %add3A_291 = arith.addi %add3A_290, %mul3A_289 : i32
        %dma_wait3A = tpu.memref_slice %arg8[%add3A_287] : memref<5376xf32, #tpu.memory_space<vmem>> -> memref<128xf32, #tpu.memory_space<vmem>>
        %dma_wait3A_292 = tpu.memref_slice %arg7[%add3A_291] : memref<5632xi32, #tpu.memory_space<vmem>> -> memref<128xi32, #tpu.memory_space<vmem>>
        %dma_wait3A_293 = arith.constant 0 : i32
        %dma_wait3A_294 = tpu.memref_slice %arg10[%dma_wait3A_293] : memref<1638400xf32, #tpu.memory_space<vmem_shared>> -> memref<1638400xf32, #tpu.memory_space<vmem_shared>>
        tpu.wait_indirect_dma semaphore(%arg12 : memref<!tpu.dma_semaphore, #tpu.memory_space<semaphore_mem>>) src(%dma_wait3A : memref<128xf32, #tpu.memory_space<vmem>>) dst(%dma_wait3A_294 : memref<1638400xf32, #tpu.memory_space<vmem_shared>>)
        %while3A_295 = arith.constant 0 : i32
        scf.yield %while3A_295 : i32
      }
      %while3A_263 = arith.constant 1 : i32
      %while3A_264 = scf.for %while3A_282 = %while3A_260 to %while3A_256 step %while3A_263 iter_args(%while3A_283 = %while3A_262) -> (i32)  : i32 {
        %mul3A_284 = arith.constant 128 : i32
        %mul3A_285 = arith.muli %while3A_282, %mul3A_284 : i32
        %add3A_286 = arith.constant 2688 : i32
        %add3A_287 = arith.addi %add3A_286, %mul3A_285 : i32
        %mul3A_288 = arith.constant 128 : i32
        %mul3A_289 = arith.muli %while3A_282, %mul3A_288 : i32
        %add3A_290 = arith.constant 2816 : i32
        %add3A_291 = arith.addi %add3A_290, %mul3A_289 : i32
        %dma_wait3A = tpu.memref_slice %arg8[%add3A_287] : memref<5376xf32, #tpu.memory_space<vmem>> -> memref<128xf32, #tpu.memory_space<vmem>>
        %dma_wait3A_292 = tpu.memref_slice %arg7[%add3A_291] : memref<5632xi32, #tpu.memory_space<vmem>> -> memref<128xi32, #tpu.memory_space<vmem>>
        %dma_wait3A_293 = arith.constant 0 : i32
        %dma_wait3A_294 = tpu.memref_slice %arg10[%dma_wait3A_293] : memref<1638400xf32, #tpu.memory_space<vmem_shared>> -> memref<1638400xf32, #tpu.memory_space<vmem_shared>>
        tpu.wait_indirect_dma semaphore(%arg12 : memref<!tpu.dma_semaphore, #tpu.memory_space<semaphore_mem>>) src(%dma_wait3A : memref<128xf32, #tpu.memory_space<vmem>>) dst(%dma_wait3A_294 : memref<1638400xf32, #tpu.memory_space<vmem_shared>>)
        %while3A_295 = arith.constant 0 : i32
        scf.yield %while3A_295 : i32
      }
      %ge3A_265 = arith.constant 1 : i32
      %ge3A_266 = arith.cmpi sge, %scan3A_96, %ge3A_265 : i32
      %convert_element_type3A_267 = arith.extui %ge3A_266 : i1 to i32
      %cond3A_268 = arith.constant 0 : i32
      %cond3A_269 = arith.cmpi ne, %convert_element_type3A_267, %cond3A_268 : i32
      scf.if %cond3A_269 {
        %lt3A_282 = arith.constant 4 : i32
        %lt3A_283 = arith.cmpi slt, %select_n3A_202, %lt3A_282 : i32
        %convert_element_type3A_284 = arith.extui %lt3A_283 : i1 to i32
        %cond3A_285 = arith.constant 0 : i32
        %cond3A_286 = arith.cmpi ne, %convert_element_type3A_284, %cond3A_285 : i32
        scf.if %cond3A_286 {
          %scan3A_292 = arith.constant 0 : i32
          %scan3A_293 = arith.constant 0 : i32
          %scan3A_294 = arith.constant 19 : i32
          %scan3A_295 = arith.addi %scan3A_293, %scan3A_294 : i32
          %scan3A_296 = arith.constant 1 : i32
          %scan3A_297 = scf.for %scan3A_299 = %scan3A_293 to %scan3A_295 step %scan3A_296 iter_args(%scan3A_300 = %scan3A_292) -> (i32)  : i32 {
            %mul3A_301 = arith.constant 51072 : i32
            %mul3A_302 = arith.muli %arg1, %mul3A_301 : i32
            %add3A_303 = arith.addi %mul3A_206, %mul3A_302 : i32
            %mul3A_304 = arith.constant 2688 : i32
            %mul3A_305 = arith.muli %scan3A_299, %mul3A_304 : i32
            %add3A_306 = arith.addi %add3A_303, %mul3A_305 : i32
            %dma_wait3A = tpu.memref_slice %arg10[%add3A_306] : memref<1638400xf32, #tpu.memory_space<vmem_shared>> -> memref<2688xf32, #tpu.memory_space<vmem_shared>>
            %dma_wait3A_307 = tpu.memref_slice %arg10[%add3A_306] : memref<1638400xf32, #tpu.memory_space<vmem_shared>> -> memref<2688xf32, #tpu.memory_space<vmem_shared>>
            tpu.wait_dma2 semaphore(%arg13 : memref<!tpu.dma_semaphore, #tpu.memory_space<semaphore_mem>>) src(%arg9 : memref<2688xf32, #tpu.memory_space<vmem>>) dst(%dma_wait3A_307 : memref<2688xf32, #tpu.memory_space<vmem_shared>>)
            %scan3A_308 = arith.constant 0 : i32
            scf.yield %scan3A_308 : i32
          }
          %scan3A_298 = arith.constant 19 : i32
        } else {
        }
        %ge3A_287 = arith.constant 4 : i32
        %ge3A_288 = arith.cmpi sge, %select_n3A_202, %ge3A_287 : i32
        %convert_element_type3A_289 = arith.extui %ge3A_288 : i1 to i32
        %cond3A_290 = arith.constant 0 : i32
        %cond3A_291 = arith.cmpi ne, %convert_element_type3A_289, %cond3A_290 : i32
        scf.if %cond3A_291 {
          %scan3A_292 = arith.constant 0 : i32
          %scan3A_293 = arith.constant 0 : i32
          %scan3A_294 = arith.constant 18 : i32
          %scan3A_295 = arith.addi %scan3A_293, %scan3A_294 : i32
          %scan3A_296 = arith.constant 1 : i32
          %scan3A_297 = scf.for %scan3A_305 = %scan3A_293 to %scan3A_295 step %scan3A_296 iter_args(%scan3A_306 = %scan3A_292) -> (i32)  : i32 {
            %mul3A_307 = arith.constant 48384 : i32
            %mul3A_308 = arith.muli %arg1, %mul3A_307 : i32
            %add3A_309 = arith.addi %mul3A_206, %mul3A_308 : i32
            %mul3A_310 = arith.constant 2688 : i32
            %mul3A_311 = arith.muli %scan3A_305, %mul3A_310 : i32
            %add3A_312 = arith.addi %add3A_309, %mul3A_311 : i32
            %dma_wait3A_313 = tpu.memref_slice %arg10[%add3A_312] : memref<1638400xf32, #tpu.memory_space<vmem_shared>> -> memref<2688xf32, #tpu.memory_space<vmem_shared>>
            %dma_wait3A_314 = tpu.memref_slice %arg10[%add3A_312] : memref<1638400xf32, #tpu.memory_space<vmem_shared>> -> memref<2688xf32, #tpu.memory_space<vmem_shared>>
            tpu.wait_dma2 semaphore(%arg13 : memref<!tpu.dma_semaphore, #tpu.memory_space<semaphore_mem>>) src(%arg9 : memref<2688xf32, #tpu.memory_space<vmem>>) dst(%dma_wait3A_314 : memref<2688xf32, #tpu.memory_space<vmem_shared>>)
            %scan3A_315 = arith.constant 0 : i32
            scf.yield %scan3A_315 : i32
          }
          %scan3A_298 = arith.constant 18 : i32
          %add3A_299 = arith.constant 774144 : i32
          %add3A_300 = arith.addi %mul3A_206, %add3A_299 : i32
          %mul3A_301 = arith.constant 2688 : i32
          %mul3A_302 = arith.muli %arg1, %mul3A_301 : i32
          %add3A_303 = arith.addi %add3A_300, %mul3A_302 : i32
          %dma_wait3A = tpu.memref_slice %arg10[%add3A_303] : memref<1638400xf32, #tpu.memory_space<vmem_shared>> -> memref<2688xf32, #tpu.memory_space<vmem_shared>>
          %dma_wait3A_304 = tpu.memref_slice %arg10[%add3A_303] : memref<1638400xf32, #tpu.memory_space<vmem_shared>> -> memref<2688xf32, #tpu.memory_space<vmem_shared>>
          tpu.wait_dma2 semaphore(%arg13 : memref<!tpu.dma_semaphore, #tpu.memory_space<semaphore_mem>>) src(%arg9 : memref<2688xf32, #tpu.memory_space<vmem>>) dst(%dma_wait3A_304 : memref<2688xf32, #tpu.memory_space<vmem_shared>>)
        } else {
        }
      } else {
      }
      %barrier3A_270 = arith.constant 0 : index
      tpu.barrier barrier_id(%barrier3A_270)
      %lt3A_271 = arith.constant 4 : i32
      %lt3A_272 = arith.cmpi slt, %select_n3A_140, %lt3A_271 : i32
      %convert_element_type3A_273 = arith.extui %lt3A_272 : i1 to i32
      %cond3A_274 = arith.constant 0 : i32
      %cond3A_275 = arith.cmpi ne, %convert_element_type3A_273, %cond3A_274 : i32
      scf.if %cond3A_275 {
        %mul3A_282 = arith.constant 51072 : i32
        %mul3A_283 = arith.muli %arg1, %mul3A_282 : i32
        %add3A_284 = arith.addi %mul3A_144, %mul3A_283 : i32
        %mul3A_285 = arith.constant 4816896 : i32
        %mul3A_286 = arith.muli %select_n3A_124, %mul3A_285 : i32
        %add3A_287 = arith.addi %mul3A_286, %mul3A_157 : i32
        %add3A_288 = arith.addi %add3A_287, %mul3A_283 : i32
        %dma_start3A_289 = tpu.memref_slice %arg4[%add3A_288] : memref<38535168xf32, #tpu.memory_space<hbm>> -> memref<51072xf32, #tpu.memory_space<hbm>>
        %dma_start3A_290 = tpu.memref_slice %arg10[%add3A_284] : memref<1638400xf32, #tpu.memory_space<vmem_shared>> -> memref<51072xf32, #tpu.memory_space<vmem_shared>>
        tpu.enqueue_dma source(%dma_start3A_290 : memref<51072xf32, #tpu.memory_space<vmem_shared>>) target(%dma_start3A_289 : memref<51072xf32, #tpu.memory_space<hbm>>) target_semaphore(%arg14 : memref<!tpu.dma_semaphore, #tpu.memory_space<semaphore_mem>>)
      } else {
      }
      %ge3A_276 = arith.constant 4 : i32
      %ge3A_277 = arith.cmpi sge, %select_n3A_140, %ge3A_276 : i32
      %convert_element_type3A_278 = arith.extui %ge3A_277 : i1 to i32
      %cond3A_279 = arith.constant 0 : i32
      %cond3A_280 = arith.cmpi ne, %convert_element_type3A_278, %cond3A_279 : i32
      scf.if %cond3A_280 {
        %mul3A_282 = arith.constant 48384 : i32
        %mul3A_283 = arith.muli %arg1, %mul3A_282 : i32
        %add3A_284 = arith.addi %mul3A_144, %mul3A_283 : i32
        %mul3A_285 = arith.constant 4816896 : i32
        %mul3A_286 = arith.muli %select_n3A_124, %mul3A_285 : i32
        %add3A_287 = arith.addi %mul3A_286, %mul3A_157 : i32
        %add3A_288 = arith.addi %add3A_287, %mul3A_283 : i32
        %dma_start3A_289 = tpu.memref_slice %arg4[%add3A_288] : memref<38535168xf32, #tpu.memory_space<hbm>> -> memref<48384xf32, #tpu.memory_space<hbm>>
        %dma_start3A_290 = tpu.memref_slice %arg10[%add3A_284] : memref<1638400xf32, #tpu.memory_space<vmem_shared>> -> memref<48384xf32, #tpu.memory_space<vmem_shared>>
        tpu.enqueue_dma source(%dma_start3A_290 : memref<48384xf32, #tpu.memory_space<vmem_shared>>) target(%dma_start3A_289 : memref<48384xf32, #tpu.memory_space<hbm>>) target_semaphore(%arg14 : memref<!tpu.dma_semaphore, #tpu.memory_space<semaphore_mem>>)
      } else {
      }
      %scan3A_281 = arith.constant 0 : i32
      scf.yield %scan3A_281 : i32
    }
    %scan3A_40 = arith.constant 24 : i32
    %add3A = arith.constant 46 : i32
    %add3A_41 = arith.addi %add3A, %arg0 : i32
    %jit3A = arith.constant 6 : i32
    %div3A = arith.divsi %add3A_41, %jit3A : i32
    %sign3A = arith.constant 0 : i32
    %sign3A_42 = arith.cmpi sgt, %add3A_41, %sign3A : i32
    %sign3A_43 = arith.extui %sign3A_42 : i1 to i32
    %sign3A_44 = arith.constant 0 : i32
    %sign3A_45 = arith.cmpi slt, %add3A_41, %sign3A_44 : i32
    %sign3A_46 = arith.extui %sign3A_45 : i1 to i32
    %sign3A_47 = arith.subi %sign3A_43, %sign3A_46 : i32
    %sign3A_48 = arith.constant 0 : i32
    %sign3A_49 = arith.cmpi sgt, %jit3A, %sign3A_48 : i32
    %sign3A_50 = arith.extui %sign3A_49 : i1 to i32
    %sign3A_51 = arith.constant 0 : i32
    %sign3A_52 = arith.cmpi slt, %jit3A, %sign3A_51 : i32
    %sign3A_53 = arith.extui %sign3A_52 : i1 to i32
    %sign3A_54 = arith.subi %sign3A_50, %sign3A_53 : i32
    %ne3A = arith.cmpi ne, %sign3A_47, %sign3A_54 : i32
    %rem3A = arith.remsi %add3A_41, %jit3A : i32
    %ne3A_55 = arith.constant 0 : i32
    %ne3A_56 = arith.cmpi ne, %rem3A, %ne3A_55 : i32
    %and3A = arith.andi %ne3A, %ne3A_56 : i1
    %sub3A = arith.constant 1 : i32
    %sub3A_57 = arith.subi %div3A, %sub3A : i32
    %select_n3A = arith.select %and3A, %sub3A_57, %div3A : i32
    %jit3A_58 = arith.constant 6 : i32
    %eq3A = arith.constant 0 : i32
    %eq3A_59 = arith.cmpi eq, %jit3A_58, %eq3A : i32
    %jit3A_60 = arith.constant 1 : i32
    %select_n3A_61 = arith.select %eq3A_59, %jit3A_60, %jit3A_58 : i32
    %rem3A_62 = arith.remsi %add3A_41, %select_n3A_61 : i32
    %ne3A_63 = arith.constant 0 : i32
    %ne3A_64 = arith.cmpi ne, %rem3A_62, %ne3A_63 : i32
    %lt3A = arith.constant 0 : i32
    %lt3A_65 = arith.cmpi slt, %rem3A_62, %lt3A : i32
    %lt3A_66 = arith.constant 0 : i32
    %lt3A_67 = arith.cmpi slt, %select_n3A_61, %lt3A_66 : i32
    %ne3A_68 = arith.xori %lt3A_65, %lt3A_67 : i1
    %and3A_69 = arith.andi %ne3A_68, %ne3A_64 : i1
    %add3A_70 = arith.addi %rem3A_62, %select_n3A_61 : i32
    %select_n3A_71 = arith.select %and3A_69, %add3A_70, %rem3A_62 : i32
    %rem3A_72 = arith.constant 23 : i32
    %rem3A_73 = arith.constant 2 : i32
    %rem3A_74 = arith.remsi %rem3A_72, %rem3A_73 : i32
    %mul3A = arith.constant 819200 : i32
    %mul3A_75 = arith.muli %rem3A_74, %mul3A : i32
    %lt3A_76 = arith.constant 4 : i32
    %lt3A_77 = arith.cmpi slt, %select_n3A_71, %lt3A_76 : i32
    %mul3A_78 = arith.constant 38 : i32
    %mul3A_79 = arith.muli %select_n3A_71, %mul3A_78 : i32
    %sub3A_80 = arith.constant 4 : i32
    %sub3A_81 = arith.subi %select_n3A_71, %sub3A_80 : i32
    %mul3A_82 = arith.constant 36 : i32
    %mul3A_83 = arith.muli %sub3A_81, %mul3A_82 : i32
    %add3A_84 = arith.constant 152 : i32
    %add3A_85 = arith.addi %add3A_84, %mul3A_83 : i32
    %select_n3A_86 = arith.select %lt3A_77, %mul3A_79, %add3A_85 : i32
    %mul3A_87 = arith.constant 21504 : i32
    %mul3A_88 = arith.muli %select_n3A_86, %mul3A_87 : i32
    %lt3A_89 = arith.constant 4 : i32
    %lt3A_90 = arith.cmpi slt, %select_n3A_71, %lt3A_89 : i32
    %convert_element_type3A = arith.extui %lt3A_90 : i1 to i32
    %cond3A = arith.constant 0 : i32
    %cond3A_91 = arith.cmpi ne, %convert_element_type3A, %cond3A : i32
    scf.if %cond3A_91 {
      %mul3A_96 = arith.constant 51072 : i32
      %mul3A_97 = arith.muli %arg1, %mul3A_96 : i32
      %add3A_98 = arith.addi %mul3A_75, %mul3A_97 : i32
      %mul3A_99 = arith.constant 4816896 : i32
      %mul3A_100 = arith.muli %select_n3A, %mul3A_99 : i32
      %add3A_101 = arith.addi %mul3A_100, %mul3A_88 : i32
      %add3A_102 = arith.addi %add3A_101, %mul3A_97 : i32
      %dma_wait3A = tpu.memref_slice %arg4[%add3A_102] : memref<38535168xf32, #tpu.memory_space<hbm>> -> memref<51072xf32, #tpu.memory_space<hbm>>
      %dma_wait3A_103 = tpu.memref_slice %arg10[%add3A_98] : memref<1638400xf32, #tpu.memory_space<vmem_shared>> -> memref<51072xf32, #tpu.memory_space<vmem_shared>>
      tpu.wait_dma2 semaphore(%arg14 : memref<!tpu.dma_semaphore, #tpu.memory_space<semaphore_mem>>) src(%dma_wait3A_103 : memref<51072xf32, #tpu.memory_space<vmem_shared>>) dst(%dma_wait3A : memref<51072xf32, #tpu.memory_space<hbm>>)
    } else {
    }
    %ge3A = arith.constant 4 : i32
    %ge3A_92 = arith.cmpi sge, %select_n3A_71, %ge3A : i32
    %convert_element_type3A_93 = arith.extui %ge3A_92 : i1 to i32
    %cond3A_94 = arith.constant 0 : i32
    %cond3A_95 = arith.cmpi ne, %convert_element_type3A_93, %cond3A_94 : i32
    scf.if %cond3A_95 {
      %mul3A_96 = arith.constant 48384 : i32
      %mul3A_97 = arith.muli %arg1, %mul3A_96 : i32
      %add3A_98 = arith.addi %mul3A_75, %mul3A_97 : i32
      %mul3A_99 = arith.constant 4816896 : i32
      %mul3A_100 = arith.muli %select_n3A, %mul3A_99 : i32
      %add3A_101 = arith.addi %mul3A_100, %mul3A_88 : i32
      %add3A_102 = arith.addi %add3A_101, %mul3A_97 : i32
      %dma_wait3A = tpu.memref_slice %arg4[%add3A_102] : memref<38535168xf32, #tpu.memory_space<hbm>> -> memref<48384xf32, #tpu.memory_space<hbm>>
      %dma_wait3A_103 = tpu.memref_slice %arg10[%add3A_98] : memref<1638400xf32, #tpu.memory_space<vmem_shared>> -> memref<48384xf32, #tpu.memory_space<vmem_shared>>
      tpu.wait_dma2 semaphore(%arg14 : memref<!tpu.dma_semaphore, #tpu.memory_space<semaphore_mem>>) src(%dma_wait3A_103 : memref<48384xf32, #tpu.memory_space<vmem_shared>>) dst(%dma_wait3A : memref<48384xf32, #tpu.memory_space<hbm>>)
    } else {
    }
    return
  }
}

</mosaic_0001>

<sc_bundles>
// kernel: kernel.3.cloned.1.call-start
scs
__scs_entry_jumppad:
0x0: {  	(pc) =	sbr.rel $0x88, $3  }
0x1: {  	(tag) =	ssettag $0x0;
	lr =	simm.s32 $0x1  }
0x2: {  	[smem:$0x3F9F] =	sst lr;
	_ =	strace $0xD0000000  }
0x3: {  	_ = 	snop  }
0x4: {  	_ = 	snop  }
0x5: {  	_ = 	snop  }
0x6: {  	_ = 	snop  }
0x7: {  	_ = 	snop  }
__scs_overlays_trampoline_lowered:
0x8: {  	[smem:$0x3FAE] =	sst s0  }
0x9: {  	[smem:$0x3FAF] =	sst s1  }
0xa: {  	[smem:$0x3FB0] =	sst s2  }
0xb: {  	[smem:$0x3FB1] =	sst s3  }
0xc: {  	[smem:$0x3FB2] =	sst s4  }
0xd: {  	[smem:$0x3FB3] =	sst s5  }
0xe: {  	[smem:$0x3FB4] =	sst s6  }
0xf: {  	[smem:$0x3FB5] =	sst s7  }
0x10: {  	[smem:$0x3FB6] =	sst s8  }
0x11: {  	[smem:$0x3FB7] =	sst s9;
	s0 =	simm.s32 @!p0 $0x0  }
0x12: {  	s1 =	sld [smem:$0x3F9D];
	s0 =	simm.s32 @p0 $0x1  }
0x13: {  	[smem:$0x3FB8] =	sst s0;
	s0 =	simm.s32 @!p1 $0x0  }
0x14: {  	s2 =	sld [smem:$0x3F9C];
	s0 =	simm.s32 @p1 $0x1  }
0x15: {  	[smem:$0x3FB9] =	sst s0;
	s0 =	simm.s32 @!p2 $0x0  }
0x16: {  	s3 =	sld [smem:$0x3FDB];
	s0 =	simm.s32 @p2 $0x1  }
0x17: {  	s4 =	simm.s32 $0x1BF5;
	[smem:$0x3FBB] =	sst s0  }
0x18: {  	s0 =	sld [smem:$0x3F9E];
	_ =	swait.ge [sflag:s4], $0x0  }
0x19: {  	s7 =	sld [smem:$0x3F9F]  }
0x1a: {  	s8 =	sadd.s32 $0xFFFFE003, lr  }
0x1b: {  	s9 =	sadd.s32 $0xFFFFFEF7, lr;
	s5 =	simm.s32 $0xFFFFFFFF;
	p2 =	slt.u32 s8, $0xFFFFF086  }
0x1c: {  	p1 =	slt.u32 s9, $0xF7A;
	s5 =	simm.s32 @!p2 $0x0  }
0x1d: {  	s5 =	simm.s32 @p1 $0x1;
	p0 =	seq.s32 s7, s2  }
0x1e: {  	s7 =	smul.u32 @!p0 $0xF7A, s2;
	p2 =	seq.s32 @!p0 s5, $0x0  }
0x1f: {  	s9 =	smul.u32 $0xF7A, s1;
	s8 =	simm.s32 @!p0 $0x1BF5;
	p2 =	por !p2, p0  }
0x20: {  	[sflag:s8] =	ssyncset.s32 @!p0 $0xFFFFF086;
	s6 =	sadd.s32 @!p0 s3, s7;
	s7 =	simm.s32 @!p0 $0x108  }
0x21: {  	s3 =	sadd.s32 s3, s9;
	s6 =	sadd.s32 @!p0 $0x88, s6;
	s7 =	simm.s32 @p2 $0x1082  }
0x22: {  	[simem:s7], [sflag:s8] =	dma.local @!p0 [hbm:s6], $0xF7A  }
0x23: {  	s9 =	sor.u32 $0xD0000000, s2;
	s6 =	simm.s32 $0x108;
	_ =	swait.ge @!p0 [sflag:s8], $0x0  }
0x24: {  	s3 =	sadd.s32 $0x88, s3;
	s6 =	simm.s32 @!p1 $0x1082;
	[sflag:s4] =	ssyncset.s32 $0xFFFFF086  }
0x25: {  	[simem:s6], [sflag:s4] =	dma.local [hbm:s3], $0xF7A  }
0x26: {  	[smem:$0x3F9F] =	sst s1;
	(tag) =	ssettag s2;
	_ =	strace s9  }
0x27: {  	s1 =	sld [smem:$0x3FAF]  }
0x28: {  	s2 =	sld [smem:$0x3FB0]  }
0x29: {  	s4 =	sld [smem:$0x3FB2]  }
0x2a: {  	p0 =	seq.s32 s5, $0x0;
	s5 =	sld [smem:$0x3FB3]  }
0x2b: {  	s6 =	sld [smem:$0x3FB4]  }
0x2c: {  	s7 =	sld [smem:$0x3FB5]  }
0x2d: {  	s3 =	simm.s32 $0x108;
	s8 =	sld [smem:$0x3FB6]  }
0x2e: {  	s3 =	simm.s32 @!p0 $0x1082;
	s9 =	sld [smem:$0x3FB7]  }
0x2f: {  	lr =	sadd.s32 s0, s3;
	s0 =	sld [smem:$0x3FAE]  }
0x30: {  	s3 =	sld [smem:$0x3FB1]  }
0x31: {  	[smem:$0x3FBA] =	sst s10  }
0x32: {  	s10 =	sld [smem:$0x3FB8];
	_ =	sdelay $0x3  }
0x33: {  	p0 =	seq.s32 s10, $0x1;
	s10 =	sld [smem:$0x3FBA];
	_ =	sdelay $0x3  }
0x34: {  	[smem:$0x3FBA] =	sst s10  }
0x35: {  	s10 =	sld [smem:$0x3FB9];
	_ =	sdelay $0x3  }
0x36: {  	p1 =	seq.s32 s10, $0x1;
	s10 =	sld [smem:$0x3FBA];
	_ =	sdelay $0x3  }
0x37: {  	[smem:$0x3FBA] =	sst s10  }
0x38: {  	s10 =	sld [smem:$0x3FBB]  }
0x39: {  	_ = 	snop;
	(pc) =	sbr.ind lr, $3  }
0x3a: {  	_ = 	snop  }
0x3b: {  	_ = 	snop  }
0x3c: {  	p2 =	seq.s32 s10, $0x1;
	s10 =	sld [smem:$0x3FBA]  }
0x3d: {  	_ =	shalt  }
0x3e: {  	_ =	shalt  }
0x3f: {  	_ =	shalt  }
0x40: {  	_ =	shalt  }
0x41: {  	_ =	shalt  }
0x42: {  	_ =	shalt  }
0x43: {  	_ =	shalt  }
0x44: {  	_ =	shalt  }
0x45: {  	_ =	shalt  }
0x46: {  	_ =	shalt  }
0x47: {  	_ =	shalt  }
0x48: {  	_ =	shalt  }
0x49: {  	_ =	shalt  }
0x4a: {  	_ =	shalt  }
0x4b: {  	_ =	shalt  }
0x4c: {  	_ =	shalt  }
0x4d: {  	_ =	shalt  }
0x4e: {  	_ =	shalt  }
0x4f: {  	_ =	shalt  }
0x50: {  	_ =	shalt  }
0x51: {  	_ =	shalt  }
0x52: {  	_ =	shalt  }
0x53: {  	_ =	shalt  }
0x54: {  	_ =	shalt  }
0x55: {  	_ =	shalt  }
0x56: {  	_ =	shalt  }
0x57: {  	_ =	shalt  }
0x58: {  	_ =	shalt  }
0x59: {  	_ =	shalt  }
0x5a: {  	_ =	shalt  }
0x5b: {  	_ =	shalt  }
0x5c: {  	_ =	shalt  }
0x5d: {  	_ =	shalt  }
0x5e: {  	_ =	shalt  }
0x5f: {  	_ =	shalt  }
0x60: {  	_ =	shalt  }
0x61: {  	_ =	shalt  }
0x62: {  	_ =	shalt  }
0x63: {  	_ =	shalt  }
0x64: {  	_ =	shalt  }
0x65: {  	_ =	shalt  }
0x66: {  	_ =	shalt  }
0x67: {  	_ =	shalt  }
0x68: {  	_ =	shalt  }
0x69: {  	_ =	shalt  }
0x6a: {  	_ =	shalt  }
0x6b: {  	_ =	shalt  }
0x6c: {  	_ =	shalt  }
0x6d: {  	_ =	shalt  }
0x6e: {  	_ =	shalt  }
0x6f: {  	_ =	shalt  }
0x70: {  	_ =	shalt  }
0x71: {  	_ =	shalt  }
0x72: {  	_ =	shalt  }
0x73: {  	_ =	shalt  }
0x74: {  	_ =	shalt  }
0x75: {  	_ =	shalt  }
0x76: {  	_ =	shalt  }
0x77: {  	_ =	shalt  }
0x78: {  	_ =	shalt  }
0x79: {  	_ =	shalt  }
0x7a: {  	_ =	shalt  }
0x7b: {  	_ =	shalt  }
0x7c: {  	_ =	shalt  }
0x7d: {  	_ =	shalt  }
0x7e: {  	_ =	shalt  }
0x7f: {  	_ =	shalt  }
0x80: {  	_ =	shalt  }
0x81: {  	_ =	shalt  }
0x82: {  	_ =	shalt  }
0x83: {  	_ =	shalt  }
0x84: {  	_ =	shalt  }
0x85: {  	_ =	shalt  }
0x86: {  	_ =	shalt  }
0x87: {  	_ =	shalt  }
.Lfunc_end0:
.L_simem_size_0:
called_computation_lowered:
.L_overlay_start_0:
0x88: {  	s2 =	sld [smem:$0x3FD9]  }
0x89: {  	s3 =	sld [smem:$0x3FFE];
	_ =	sdelay $0x1  }
0x8a: {  	s1 =	srdreg.scid  }
0x8b: {  	s0 =	sand.u32 $0x1, s1  }
0x8c: {  	s17 =	sshll.u32 s0, $0xA;
	s2 =	sadd.s32 s3, s2  }
0x8d: {  	s2 =	sadd.s32 s2, s17  }
0x8e: {  	[smem:$0x3FC6] =	sst s2  }
0x8f: {  	_ = 	snop  }
0x90: {  	s2 =	sld [smem:$0x3FD0];
	(tm) =	ssettm $0x1  }
0x91: {  	s18 =	sld [smem:$0x3FFB];
	_ =	sdelay $0x3  }
0x92: {  	_ =	strace s18  }
0x93: {  	s3 =	sld [smem:$0x3FFC];
	_ =	sdelay $0x3  }
0x94: {  	_ =	strace s3  }
0x95: {  	s3 =	sld [smem:$0x3FFD];
	_ =	sdelay $0x3  }
0x96: {  	_ =	strace s3  }
0x97: {  	_ =	strace $0x8FFFFFFF  }
0x98: {  	s19 =	sld [smem:$0x3FDB];
	_ =	sdelay $0x1  }
0x99: {  	s4 =	simm.s32 $_scs_section_size  }
0x9a: {  	s5 =	simm.s32 $_size__tile_overlayer_lowered;
	s6 =	simm.s32 $_tile_overlayer_lowered  }
0x9b: {  	s22 =	simm.s32 $0x1BFF;
	s21 =	sshll.u32 s6, $0x1;
	s3 =	sadd.s32 s4, s19  }
0x9c: {  	s7 =	simm.s32 $0x0;
	s20 =	sshll.u32 s5, $0x1;
	s5 =	sadd.s32 s21, s3  }
0x9d: {  	[timem:s7], [sflag:s22] =	dma.local [hbm:s5], s20  }
0x9e: {  	_ =	swait.ge [sflag:s22], s20  }
0x9f: {  	s4 =	ssub.s32 $0x0, s20;
	[sflag:s22] =	ssyncset.done $0x0  }
0xa0: {  	[sflag:s22] =	ssyncadd.s32 s4;
	_ =	sdelay $0x1  }
0xa1: {  	s23 =	simm.s32 $0x1B8B  }
0xa2: {  	_ =	swait.ge [sflag:s23], $0x1  }
0xa3: {  	[sflag:s23] =	ssyncset.done $0x0  }
0xa4: {  	s25 =	simm.s32 $0x1B8E;
	s24 =	sld [smem:$0x3FFE];
	[sflag:s23] =	ssyncadd.s32 $0xFFFFFFFF  }
0xa5: {  	s26 =	simm.s32 $execute0_lowered;
	[smem:$0x3FD2] =	sst s25  }
0xa6: {  	s5 =	sshll.u32 s26, $0x1;
	_ =	strace $0x80000046;
	[dreg:$0x1] =	wrdreg $0xFFFFFFFF  }
0xa7: {  	s28 =	simm.s32 $_size_execute0_lowered;
	s3 =	sadd.s32 s3, s5;
	[dreg:$0x0] =	wrdreg $0x0  }
0xa8: {  	s5 =	sshll.u32 s28, $0x1;
	[dreg:$0x2] =	wrdreg s3  }
0xa9: {  	[dreg:$0x3] =	wrdreg s5  }
0xaa: {  	[dreg:$0x4] =	wrdreg $0xC0  }
0xab: {  	_ =	task [dreg:s7], $0x5FFFF  }
0xac: {  	[dreg:$0x1] =	wrdreg $0xFFFFFFFF  }
0xad: {  	[dreg:$0x0] =	wrdreg $0x60  }
0xae: {  	[dreg:$0x2] =	wrdreg s24  }
0xaf: {  	[dreg:$0x3] =	wrdreg s2  }
0xb0: {  	[dreg:$0x4] =	wrdreg $0x5F800  }
0xb1: {  	[dreg:$0x5] =	wrdreg $0x9  }
0xb2: {  	_ =	task.clear_ibuf [dreg:s7], $0x6FFFF;
	_ =	strace $0x90000046  }
0xb3: {  	s29 =	simm.s32 $0x9;
	_ =	strace $0x80000048  }
0xb4: {  	_ =	swait.ge [sflag:s29], $0x1  }
0xb5: {  	[sflag:s29] =	ssyncadd.s32 $0xFFFFFFFF  }
0xb6: {  	_ =	strace $0x90000048  }
0xb7: {  	_ =	sfence  }
0xb8: {  	s30 =	sld [smem:$0x0];
	_ =	sdelay $0x2  }
0xb9: {  	s31 =	sshll.u32 s1, $0xD;
	s1 =	sshrl.u32 s1, $0x2  }
0xba: {  	s3 =	sand.u32 $0x4000, s31;
	s1 =	sadd.s32 s1, s30  }
0xbb: {  	s0 =	sor.u32 s3, s0;
	s1 =	sshll.u32 s1, $0x11  }
0xbc: {  	s0 =	sor.u32 s1, s0  }
0xbd: {  	s0 =	sadd.s32 $0x8F2B, s0  }
0xbe: {  	[sflag:s0] =	ssyncadd.remote.s32 $0x1  }
0xbf: {  	_ =	sfence.sel $0xFFFF  }
0xc0: {  	[dreg:$0x0] =	wrdreg $0xFFFFFFFF;
	(pc) =	sbr.abs _section_cstart, $3  }
0xc1: {  	[dreg:$0x1] =	wrdreg $0xFFFFFFFF  }
0xc2: {  	_ =	task.clear_ibuf [dreg:s7], $0x2FFFF;
	_ =	strace $0x9FFFFFFF  }
0xc3: {  	(tm) =	ssettm $0x7FFFFFFF  }
tec
execute0_lowered:
.L_overlay_start_1:
0x0: {  	(tag) =	ssettag $0x1  }
0x1: {  	s0 =	rddreg [dreg:$0x0]  }
0x2: {  	s2 =	rddreg [dreg:$0x2];
	s8 =	simm.s32 $0x0;
	s3 =	srdreg.scid  }
0x3: {  	s1 =	stileid.u32;
	[smem:$0x7FF] =	sst s8;
	s5 =	sand.u32 $0x1, s3  }
0x4: {  	s4 =	smul.u32 $0x31E00, s1;
	s6 =	sadd.s32 $0x400, s0;
	s0 =	sadd.s32 $0x126400, s0  }
0x5: {  	s23 =	smul.u32 $0x12600, s1;
	_ =	strace $0x80000047;
	[dreg:$0x6] =	wrdreg s0  }
0x6: {  	s10 =	sshll.u32 s1, $0x6;
	s26 =	smul.u32 $0x2F400, s1;
	[dreg:$0x5] =	wrdreg s5  }
0x7: {  	s7 =	smul.u32 $0x2A00, s1;
	s24 =	sor.u32 $0x10, s10;
	[dreg:$0x9] =	wrdreg s23  }
0x8: {  	s29 =	smul.u32 $0xBD00, s1;
	s25 =	sor.u32 $0x20, s10;
	[dreg:$0xa] =	wrdreg s24  }
0x9: {  	s1 =	smul.u32 $0xC780, s1;
	s3 =	ssub.s32 $0x2, s5;
	[dreg:$0xb] =	wrdreg s25  }
0xa: {  	s20 =	sor.u32 $0x2E, s5;
	s14 =	sor.u32 $0x30, s10;
	[dreg:$0xc] =	wrdreg s29  }
0xb: {  	s15 =	sadd.s32 $0x40, s10;
	s31 =	sadd.s32 s29, s2;
	[dreg:$0xd] =	wrdreg s1  }
0xc: {  	s30 =	sshrl.u32 s26, $0x2;
	s1 =	sadd.s32 s1, s2;
	[dreg:$0xf] =	wrdreg s31  }
0xd: {  	s19 =	sshrl.u32 s4, $0x2;
	s4 =	sadd.s32 s30, s2;
	[dreg:$0x10] =	wrdreg s1  }
0xe: {  	s18 =	sshrl.u32 s3, $0x1;
	s9 =	sadd.s32 s19, s2;
	[dreg:$0xe] =	wrdreg s4  }
0xf: {  	s0 =	ssub.s32 s3, s18;
	s22 =	sadd.s32 $0xC8000, s9;
	[dreg:$0x7] =	wrdreg s9  }
0x10: {  	s16 =	sadd.s32 $0x50, s10;
	s0 =	smax.u32 s0, $0x1;
	[dreg:$0x8] =	wrdreg s22  }
0x11: {  	s17 =	sadd.s32 $0x60, s10;
	s4 =	sadd.s32 $0xA80, s9;
	[dreg:$0x11] =	wrdreg s0  }
0x12: {  	s13 =	smov.u32 s10;
	s5 =	sadd.s32 $0x1500, s9;
	[dreg:$0x13] =	wrdreg s4  }
0x13: {  	s18 =	sadd.s32 $0x70, s10;
	s10 =	sadd.s32 $0x2A00, s9;
	[dreg:$0x14] =	wrdreg s5  }
0x14: {  	s11 =	sadd.s32 $0x3480, s9;
	[dreg:$0x16] =	wrdreg s10  }
0x15: {  	s21 =	smul.u32 $0x2B, s20;
	s12 =	sadd.s32 $0x3F00, s9;
	[dreg:$0x17] =	wrdreg s11  }
0x16: {  	s19 =	sadd.s32 $0x4980, s9;
	[dreg:$0x18] =	wrdreg s12  }
0x17: {  	s3 =	sshrl.u32 s21, $0x8;
	s21 =	sadd.s32 $0x5E80, s9;
	[dreg:$0x19] =	wrdreg s19  }
0x18: {  	s23 =	sadd.s32 $0x7380, s9;
	[dreg:$0x1b] =	wrdreg s21  }
0x19: {  	s24 =	sadd.s32 $0x7E00, s9;
	[dreg:$0x1d] =	wrdreg s23  }
0x1a: {  	s25 =	sadd.s32 $0x8880, s9;
	[dreg:$0x1e] =	wrdreg s24  }
0x1b: {  	s26 =	sadd.s32 $0x9300, s9;
	[dreg:$0x1f] =	wrdreg s25  }
0x1c: {  	s29 =	sadd.s32 $0x9D80, s9;
	[smem:$0x7E7] =	sst s26  }
0x1d: {  	s30 =	sadd.s32 $0xA800, s9;
	[smem:$0x7E8] =	sst s29  }
0x1e: {  	s31 =	sadd.s32 $0xB280, s9;
	[smem:$0x7E9] =	sst s30  }
0x1f: {  	s1 =	sadd.s32 $0xBD00, s9;
	[smem:$0x7EA] =	sst s31  }
0x20: {  	s22 =	sadd.s32 $0x6900, s9;
	[smem:$0x7EB] =	sst s1  }
0x21: {  	s4 =	sadd.s32 $0xC9500, s9;
	[dreg:$0x1c] =	wrdreg s22  }
0x22: {  	s5 =	sadd.s32 $0xC9F80, s9;
	[smem:$0x7ED] =	sst s4  }
0x23: {  	s10 =	sadd.s32 $0xCB480, s9;
	[smem:$0x7EE] =	sst s5  }
0x24: {  	s11 =	sadd.s32 $0xCBF00, s9;
	[smem:$0x7F0] =	sst s10  }
0x25: {  	s12 =	sadd.s32 $0xCC980, s9;
	[smem:$0x7F1] =	sst s11  }
0x26: {  	s19 =	sadd.s32 $0xCD400, s9;
	[smem:$0x7F2] =	sst s12  }
0x27: {  	s21 =	sadd.s32 $0xCE900, s9;
	[smem:$0x7F3] =	sst s19  }
0x28: {  	s23 =	sadd.s32 $0xCFE00, s9;
	[smem:$0x7F5] =	sst s21  }
0x29: {  	s24 =	sadd.s32 $0xD0880, s9;
	[smem:$0x7F7] =	sst s23  }
0x2a: {  	s25 =	sadd.s32 $0xD1300, s9;
	[smem:$0x7F8] =	sst s24  }
0x2b: {  	s26 =	sadd.s32 $0xD1D80, s9;
	[smem:$0x7F9] =	sst s25  }
0x2c: {  	s3 =	smul.u32 $0x6, s3;
	s29 =	sadd.s32 $0xD2800, s9;
	[smem:$0x7FA] =	sst s26  }
0x2d: {  	s30 =	sadd.s32 $0xD3280, s9;
	[smem:$0x7FB] =	sst s29  }
0x2e: {  	s31 =	sadd.s32 $0xD3D00, s9;
	[smem:$0x7FC] =	sst s30;
	s3 =	ssub.s32 s20, s3  }
0x2f: {  	s22 =	sadd.s32 $0xCF380, s9;
	[smem:$0x7FD] =	sst s31;
	s3 =	sand.u32 $0xFF, s3  }
0x30: {  	s20 =	sadd.s32 $0x5400, s9;
	[smem:$0x7F6] =	sst s22;
	p0 =	sgt.u32 s3, $0x3  }
0x31: {  	[dreg:$0x1a] =	wrdreg s20;
	s20 =	sadd.s32 $0xCDE80, s9;
	s3 =	simm.s32 @!p0 $0x0  }
0x32: {  	[smem:$0x7F4] =	sst s20;
	s3 =	simm.s32 @p0 $0x1  }
.Ltmp0:
0x33: {  	[smem:$0x7E6] =	sst s3;
	s3 =	sshrl.u32 s7, $0x2;
	(pc) =	sbr.rel .LBB2_1-.Ltmp0, $4  }
0x34: {  	s7 =	sadd.s32 $0x1F80, s9;
	[dreg:$0x12] =	wrdreg s3  }
0x35: {  	[dreg:$0x15] =	wrdreg s7;
	s3 =	sadd.s32 $0xC8A80, s9  }
0x36: {  	s28 =	simm.s32 $0x80;
	s7 =	sadd.s32 $0xCAA00, s9;
	[smem:$0x7EC] =	sst s3  }
0x37: {  	v0 =	vimm.f32 $0.0e+00;
	v1 =	vlaneseq.u32;
	s24 =	simm.s32 $0x1;
	s26 =	simm.s32 $0x2;
	[smem:$0x7EF] =	sst s7  }
.LBB2_20:
0x38: {  	s0 =	sld [smem:$0x7E6];
	_ =	sdelay $0x2  }
0x39: {  	p1 =	seq.s32 s0, $0x1  }
0x3a: {  	s0 =	simm.s32 @p1 $0x4  }
0x3b: {  	_ =	swait.ge @p1 [sflag:s0], $0x17A0  }
0x3c: {  	[sflag:s0] =	ssyncset.done @p1 $0x0  }
0x3d: {  	[sflag:s0] =	ssyncadd.s32 @p1 $0xFFFFE860;
	s0 =	simm.s32 @!p1 $0x4  }
0x3e: {  	_ =	swait.ge @!p1 [sflag:s0], $0x18F0  }
0x3f: {  	s8 =	rddreg [dreg:$0x4]  }
0x40: {  	s1 =	rddreg [dreg:$0x11];
	s8 =	sadd.s32 $0x1, s8  }
0x41: {  	p0 =	sne.s32 s8, s1  }
.Ltmp1:
0x42: {  	_ = 	snop;
	(pc) =	sbr.rel @!p0 .LBB2_21-.Ltmp1, $3  }
0x43: {  	_ =	sdelay $0x1  }
0x44: {  	[sflag:s0] =	ssyncset.done @!p1 $0x0  }
0x45: {  	[sflag:s0] =	ssyncadd.s32 @!p1 $0xFFFFE710  }
.LBB2_1:
0x46: {  	[dreg:$0x4] =	wrdreg s8;
	s0 =	simm.s32 $0x40;
	s3 =	simm.s32 $0x0  }
.LBB2_2:
0x47: {  	p1 =	sne.s32 s0, $0x29C0;
	[tilespmem:s3+$0x5500] =	vst v0;
	s3 =	smov.u32 s0;
	s0 =	sadd.s32 $0x40, s0  }
.Ltmp2:
0x48: {  	(pc) =	sbr.rel @p1 .LBB2_2-.Ltmp2, $2  }
0x49: {  	_ =	sdelay $0x2  }
0x4a: {  	s3 =	sshra.s32 s3, $0x2  }
0x4b: {  	s0 =	rddreg [dreg:$0x7]  }
0x4c: {  	[tilespmem:s3+$0x5500] =	vst v0;
	s1 =	simm.s32 $0x5500;
	s23 =	rddreg [dreg:$0x13]  }
0x4d: {  	[spmem:s0] =	stream.linear.scatter [tilespmem:s1], [sflag:$0x3], $0xA80, $0x38;
	[tilespmem:$0x1EF80] =	vst v63  }
0x4e: {  	s25 =	rddreg [dreg:$0x14]  }
0x4f: {  	[spmem:s23] =	stream.linear.scatter [tilespmem:s1], [sflag:$0x3], $0xA80, $0x38;
	[tilespmem:$0x1EF80] =	vst v63  }
0x50: {  	s29 =	rddreg [dreg:$0x15]  }
0x51: {  	[spmem:s25] =	stream.linear.scatter [tilespmem:s1], [sflag:$0x3], $0xA80, $0x38;
	[tilespmem:$0x1EF80] =	vst v63  }
0x52: {  	s31 =	rddreg [dreg:$0x16]  }
0x53: {  	[spmem:s29] =	stream.linear.scatter [tilespmem:s1], [sflag:$0x3], $0xA80, $0x38;
	[tilespmem:$0x1EF80] =	vst v63  }
0x54: {  	s3 =	rddreg [dreg:$0x17]  }
0x55: {  	[spmem:s31] =	stream.linear.scatter [tilespmem:s1], [sflag:$0x3], $0xA80, $0x38;
	[tilespmem:$0x1EF80] =	vst v63  }
0x56: {  	s4 =	rddreg [dreg:$0x18]  }
0x57: {  	[spmem:s3] =	stream.linear.scatter [tilespmem:s1], [sflag:$0x3], $0xA80, $0x38;
	[tilespmem:$0x1EF80] =	vst v63  }
0x58: {  	s5 =	rddreg [dreg:$0x19]  }
0x59: {  	[spmem:s4] =	stream.linear.scatter [tilespmem:s1], [sflag:$0x3], $0xA80, $0x38;
	[tilespmem:$0x1EF80] =	vst v63  }
0x5a: {  	s7 =	rddreg [dreg:$0x1a]  }
0x5b: {  	[spmem:s5] =	stream.linear.scatter [tilespmem:s1], [sflag:$0x3], $0xA80, $0x38;
	[tilespmem:$0x1EF80] =	vst v63  }
0x5c: {  	s8 =	rddreg [dreg:$0x1b]  }
0x5d: {  	[spmem:s7] =	stream.linear.scatter [tilespmem:s1], [sflag:$0x3], $0xA80, $0x38;
	[tilespmem:$0x1EF80] =	vst v63  }
0x5e: {  	s9 =	rddreg [dreg:$0x1c]  }
0x5f: {  	[spmem:s8] =	stream.linear.scatter [tilespmem:s1], [sflag:$0x3], $0xA80, $0x38;
	[tilespmem:$0x1EF80] =	vst v63  }
0x60: {  	s10 =	rddreg [dreg:$0x1d]  }
0x61: {  	[spmem:s9] =	stream.linear.scatter [tilespmem:s1], [sflag:$0x3], $0xA80, $0x38;
	[tilespmem:$0x1EF80] =	vst v63  }
0x62: {  	s11 =	rddreg [dreg:$0x1e]  }
0x63: {  	[spmem:s10] =	stream.linear.scatter [tilespmem:s1], [sflag:$0x3], $0xA80, $0x38;
	[tilespmem:$0x1EF80] =	vst v63  }
0x64: {  	s12 =	rddreg [dreg:$0x1f]  }
0x65: {  	[spmem:s11] =	stream.linear.scatter [tilespmem:s1], [sflag:$0x3], $0xA80, $0x38;
	[tilespmem:$0x1EF80] =	vst v63  }
0x66: {  	s19 =	sld [smem:$0x7E7]  }
0x67: {  	[spmem:s12] =	stream.linear.scatter [tilespmem:s1], [sflag:$0x3], $0xA80, $0x38;
	[tilespmem:$0x1EF80] =	vst v63  }
0x68: {  	s20 =	sld [smem:$0x7E8]  }
0x69: {  	[spmem:s19] =	stream.linear.scatter [tilespmem:s1], [sflag:$0x3], $0xA80, $0x38;
	[tilespmem:$0x1EF80] =	vst v63  }
0x6a: {  	s21 =	sld [smem:$0x7E9]  }
0x6b: {  	[spmem:s20] =	stream.linear.scatter [tilespmem:s1], [sflag:$0x3], $0xA80, $0x38;
	[tilespmem:$0x1EF80] =	vst v63  }
0x6c: {  	s22 =	sld [smem:$0x7EA]  }
0x6d: {  	[spmem:s21] =	stream.linear.scatter [tilespmem:s1], [sflag:$0x3], $0xA80, $0x38;
	[tilespmem:$0x1EF80] =	vst v63  }
0x6e: {  	s23 =	sld [smem:$0x7EB]  }
0x6f: {  	[spmem:s22] =	stream.linear.scatter [tilespmem:s1], [sflag:$0x3], $0xA80, $0x38;
	[tilespmem:$0x1EF80] =	vst v63  }
0x70: {  	s25 =	rddreg [dreg:$0x8]  }
0x71: {  	[spmem:s23] =	stream.linear.scatter [tilespmem:s1], [sflag:$0x3], $0xA80, $0x38;
	[tilespmem:$0x1EF80] =	vst v63  }
0x72: {  	s29 =	sld [smem:$0x7EC]  }
0x73: {  	[spmem:s25] =	stream.linear.scatter [tilespmem:s1], [sflag:$0x3], $0xA80, $0x38;
	[tilespmem:$0x1EF80] =	vst v63  }
0x74: {  	s31 =	sld [smem:$0x7ED]  }
0x75: {  	[spmem:s29] =	stream.linear.scatter [tilespmem:s1], [sflag:$0x3], $0xA80, $0x38;
	[tilespmem:$0x1EF80] =	vst v63  }
0x76: {  	s3 =	sld [smem:$0x7EE]  }
0x77: {  	[spmem:s31] =	stream.linear.scatter [tilespmem:s1], [sflag:$0x3], $0xA80, $0x38;
	[tilespmem:$0x1EF80] =	vst v63  }
0x78: {  	s4 =	sld [smem:$0x7EF]  }
0x79: {  	[spmem:s3] =	stream.linear.scatter [tilespmem:s1], [sflag:$0x3], $0xA80, $0x38;
	[tilespmem:$0x1EF80] =	vst v63  }
0x7a: {  	s5 =	sld [smem:$0x7F0]  }
0x7b: {  	[spmem:s4] =	stream.linear.scatter [tilespmem:s1], [sflag:$0x3], $0xA80, $0x38;
	[tilespmem:$0x1EF80] =	vst v63  }
0x7c: {  	s7 =	sld [smem:$0x7F1]  }
0x7d: {  	[spmem:s5] =	stream.linear.scatter [tilespmem:s1], [sflag:$0x3], $0xA80, $0x38;
	[tilespmem:$0x1EF80] =	vst v63  }
0x7e: {  	s8 =	sld [smem:$0x7F2]  }
0x7f: {  	[spmem:s7] =	stream.linear.scatter [tilespmem:s1], [sflag:$0x3], $0xA80, $0x38;
	[tilespmem:$0x1EF80] =	vst v63  }
0x80: {  	s9 =	sld [smem:$0x7F3]  }
0x81: {  	[spmem:s8] =	stream.linear.scatter [tilespmem:s1], [sflag:$0x3], $0xA80, $0x38;
	[tilespmem:$0x1EF80] =	vst v63  }
0x82: {  	s10 =	sld [smem:$0x7F4]  }
0x83: {  	[spmem:s9] =	stream.linear.scatter [tilespmem:s1], [sflag:$0x3], $0xA80, $0x38;
	[tilespmem:$0x1EF80] =	vst v63  }
0x84: {  	s11 =	sld [smem:$0x7F5]  }
0x85: {  	[spmem:s10] =	stream.linear.scatter [tilespmem:s1], [sflag:$0x3], $0xA80, $0x38;
	[tilespmem:$0x1EF80] =	vst v63  }
0x86: {  	s12 =	sld [smem:$0x7F6]  }
0x87: {  	[spmem:s11] =	stream.linear.scatter [tilespmem:s1], [sflag:$0x3], $0xA80, $0x38;
	[tilespmem:$0x1EF80] =	vst v63  }
0x88: {  	s19 =	sld [smem:$0x7F7]  }
0x89: {  	[spmem:s12] =	stream.linear.scatter [tilespmem:s1], [sflag:$0x3], $0xA80, $0x38;
	[tilespmem:$0x1EF80] =	vst v63  }
0x8a: {  	s20 =	sld [smem:$0x7F8]  }
0x8b: {  	[spmem:s19] =	stream.linear.scatter [tilespmem:s1], [sflag:$0x3], $0xA80, $0x38;
	[tilespmem:$0x1EF80] =	vst v63  }
0x8c: {  	s21 =	sld [smem:$0x7F9]  }
0x8d: {  	[spmem:s20] =	stream.linear.scatter [tilespmem:s1], [sflag:$0x3], $0xA80, $0x38;
	[tilespmem:$0x1EF80] =	vst v63  }
0x8e: {  	s22 =	sld [smem:$0x7FA]  }
0x8f: {  	[spmem:s21] =	stream.linear.scatter [tilespmem:s1], [sflag:$0x3], $0xA80, $0x38;
	[tilespmem:$0x1EF80] =	vst v63  }
0x90: {  	s23 =	sld [smem:$0x7FB]  }
0x91: {  	[spmem:s22] =	stream.linear.scatter [tilespmem:s1], [sflag:$0x3], $0xA80, $0x38;
	[tilespmem:$0x1EF80] =	vst v63  }
0x92: {  	s25 =	sld [smem:$0x7FC]  }
0x93: {  	[spmem:s23] =	stream.linear.scatter [tilespmem:s1], [sflag:$0x3], $0xA80, $0x38;
	[tilespmem:$0x1EF80] =	vst v63  }
0x94: {  	s29 =	sld [smem:$0x7FD]  }
0x95: {  	[spmem:s25] =	stream.linear.scatter [tilespmem:s1], [sflag:$0x3], $0xA80, $0x38;
	[tilespmem:$0x1EF80] =	vst v63  }
0x96: {  	s31 =	simm.s32 $0x3  }
0x97: {  	[spmem:s29] =	stream.linear.scatter [tilespmem:s1], [sflag:$0x3], $0xA80, $0x38;
	[tilespmem:$0x1EF80] =	vst v63  }
0x98: {  	_ =	swait.ge [sflag:s31], $0xA80  }
0x99: {  	[sflag:s31] =	ssyncset.done $0x0  }
0x9a: {  	[sflag:s31] =	ssyncadd.s32 $0xFFFFF580  }
0x9b: {  	_ =	swait.ge [sflag:s31], $0xA80  }
0x9c: {  	[sflag:s31] =	ssyncset.done $0x0  }
0x9d: {  	[sflag:s31] =	ssyncadd.s32 $0xFFFFF580  }
0x9e: {  	_ =	swait.ge [sflag:s31], $0xA80  }
0x9f: {  	[sflag:s31] =	ssyncset.done $0x0  }
0xa0: {  	[sflag:s31] =	ssyncadd.s32 $0xFFFFF580  }
0xa1: {  	_ =	swait.ge [sflag:s31], $0xA80  }
0xa2: {  	[sflag:s31] =	ssyncset.done $0x0  }
0xa3: {  	[sflag:s31] =	ssyncadd.s32 $0xFFFFF580  }
0xa4: {  	_ =	swait.ge [sflag:s31], $0xA80  }
0xa5: {  	[sflag:s31] =	ssyncset.done $0x0  }
0xa6: {  	[sflag:s31] =	ssyncadd.s32 $0xFFFFF580  }
0xa7: {  	_ =	swait.ge [sflag:s31], $0xA80  }
0xa8: {  	[sflag:s31] =	ssyncset.done $0x0  }
0xa9: {  	[sflag:s31] =	ssyncadd.s32 $0xFFFFF580  }
0xaa: {  	_ =	swait.ge [sflag:s31], $0xA80  }
0xab: {  	[sflag:s31] =	ssyncset.done $0x0  }
0xac: {  	[sflag:s31] =	ssyncadd.s32 $0xFFFFF580  }
0xad: {  	_ =	swait.ge [sflag:s31], $0xA80  }
0xae: {  	[sflag:s31] =	ssyncset.done $0x0  }
0xaf: {  	[sflag:s31] =	ssyncadd.s32 $0xFFFFF580  }
0xb0: {  	_ =	swait.ge [sflag:s31], $0xA80  }
0xb1: {  	[sflag:s31] =	ssyncset.done $0x0  }
0xb2: {  	[sflag:s31] =	ssyncadd.s32 $0xFFFFF580  }
0xb3: {  	_ =	swait.ge [sflag:s31], $0xA80  }
0xb4: {  	[sflag:s31] =	ssyncset.done $0x0  }
0xb5: {  	[sflag:s31] =	ssyncadd.s32 $0xFFFFF580  }
0xb6: {  	_ =	swait.ge [sflag:s31], $0xA80  }
0xb7: {  	[sflag:s31] =	ssyncset.done $0x0  }
0xb8: {  	[sflag:s31] =	ssyncadd.s32 $0xFFFFF580  }
0xb9: {  	_ =	swait.ge [sflag:s31], $0xA80  }
0xba: {  	[sflag:s31] =	ssyncset.done $0x0  }
0xbb: {  	[sflag:s31] =	ssyncadd.s32 $0xFFFFF580  }
0xbc: {  	_ =	swait.ge [sflag:s31], $0xA80  }
0xbd: {  	[sflag:s31] =	ssyncset.done $0x0  }
0xbe: {  	[sflag:s31] =	ssyncadd.s32 $0xFFFFF580  }
0xbf: {  	_ =	swait.ge [sflag:s31], $0xA80  }
0xc0: {  	[sflag:s31] =	ssyncset.done $0x0  }
0xc1: {  	[sflag:s31] =	ssyncadd.s32 $0xFFFFF580  }
0xc2: {  	_ =	swait.ge [sflag:s31], $0xA80  }
0xc3: {  	[sflag:s31] =	ssyncset.done $0x0  }
0xc4: {  	[sflag:s31] =	ssyncadd.s32 $0xFFFFF580  }
0xc5: {  	_ =	swait.ge [sflag:s31], $0xA80  }
0xc6: {  	[sflag:s31] =	ssyncset.done $0x0  }
0xc7: {  	[sflag:s31] =	ssyncadd.s32 $0xFFFFF580  }
0xc8: {  	_ =	swait.ge [sflag:s31], $0xA80  }
0xc9: {  	[sflag:s31] =	ssyncset.done $0x0  }
0xca: {  	[sflag:s31] =	ssyncadd.s32 $0xFFFFF580  }
0xcb: {  	_ =	swait.ge [sflag:s31], $0xA80  }
0xcc: {  	[sflag:s31] =	ssyncset.done $0x0  }
0xcd: {  	[sflag:s31] =	ssyncadd.s32 $0xFFFFF580  }
0xce: {  	_ =	swait.ge [sflag:s31], $0xA80  }
0xcf: {  	[sflag:s31] =	ssyncset.done $0x0  }
0xd0: {  	[sflag:s31] =	ssyncadd.s32 $0xFFFFF580  }
0xd1: {  	_ =	swait.ge [sflag:s31], $0xA80  }
0xd2: {  	[sflag:s31] =	ssyncset.done $0x0  }
0xd3: {  	[sflag:s31] =	ssyncadd.s32 $0xFFFFF580  }
0xd4: {  	_ =	swait.ge [sflag:s31], $0xA80  }
0xd5: {  	[sflag:s31] =	ssyncset.done $0x0  }
0xd6: {  	[sflag:s31] =	ssyncadd.s32 $0xFFFFF580  }
0xd7: {  	_ =	swait.ge [sflag:s31], $0xA80  }
0xd8: {  	[sflag:s31] =	ssyncset.done $0x0  }
0xd9: {  	[sflag:s31] =	ssyncadd.s32 $0xFFFFF580  }
0xda: {  	_ =	swait.ge [sflag:s31], $0xA80  }
0xdb: {  	[sflag:s31] =	ssyncset.done $0x0  }
0xdc: {  	[sflag:s31] =	ssyncadd.s32 $0xFFFFF580  }
0xdd: {  	_ =	swait.ge [sflag:s31], $0xA80  }
0xde: {  	[sflag:s31] =	ssyncset.done $0x0  }
0xdf: {  	[sflag:s31] =	ssyncadd.s32 $0xFFFFF580  }
0xe0: {  	_ =	swait.ge [sflag:s31], $0xA80  }
0xe1: {  	[sflag:s31] =	ssyncset.done $0x0  }
0xe2: {  	[sflag:s31] =	ssyncadd.s32 $0xFFFFF580  }
0xe3: {  	_ =	swait.ge [sflag:s31], $0xA80  }
0xe4: {  	[sflag:s31] =	ssyncset.done $0x0  }
0xe5: {  	[sflag:s31] =	ssyncadd.s32 $0xFFFFF580  }
0xe6: {  	_ =	swait.ge [sflag:s31], $0xA80  }
0xe7: {  	[sflag:s31] =	ssyncset.done $0x0  }
0xe8: {  	[sflag:s31] =	ssyncadd.s32 $0xFFFFF580  }
0xe9: {  	_ =	swait.ge [sflag:s31], $0xA80  }
0xea: {  	[sflag:s31] =	ssyncset.done $0x0  }
0xeb: {  	[sflag:s31] =	ssyncadd.s32 $0xFFFFF580  }
0xec: {  	_ =	swait.ge [sflag:s31], $0xA80  }
0xed: {  	[sflag:s31] =	ssyncset.done $0x0  }
0xee: {  	[sflag:s31] =	ssyncadd.s32 $0xFFFFF580  }
0xef: {  	_ =	swait.ge [sflag:s31], $0xA80  }
0xf0: {  	[sflag:s31] =	ssyncset.done $0x0  }
0xf1: {  	[sflag:s31] =	ssyncadd.s32 $0xFFFFF580  }
0xf2: {  	_ =	swait.ge [sflag:s31], $0xA80  }
0xf3: {  	[sflag:s31] =	ssyncset.done $0x0  }
0xf4: {  	[sflag:s31] =	ssyncadd.s32 $0xFFFFF580  }
0xf5: {  	_ =	swait.ge [sflag:s31], $0xA80  }
0xf6: {  	[sflag:s31] =	ssyncset.done $0x0  }
0xf7: {  	[sflag:s31] =	ssyncadd.s32 $0xFFFFF580  }
0xf8: {  	_ =	swait.ge [sflag:s31], $0xA80  }
0xf9: {  	[sflag:s31] =	ssyncset.done $0x0  }
0xfa: {  	[sflag:s31] =	ssyncadd.s32 $0xFFFFF580  }
0xfb: {  	_ =	swait.ge [sflag:s31], $0xA80  }
0xfc: {  	[sflag:s31] =	ssyncset.done $0x0  }
0xfd: {  	[sflag:s31] =	ssyncadd.s32 $0xFFFFF580  }
0xfe: {  	_ =	swait.ge [sflag:s31], $0xA80  }
0xff: {  	[sflag:s31] =	ssyncset.done $0x0  }
0x100: {  	[sflag:s31] =	ssyncadd.s32 $0xFFFFF580  }
0x101: {  	_ =	swait.ge [sflag:s31], $0xA80  }
0x102: {  	[sflag:s31] =	ssyncset.done $0x0  }
0x103: {  	[sflag:s31] =	ssyncadd.s32 $0xFFFFF580  }
0x104: {  	_ =	swait.ge [sflag:s31], $0xA80  }
0x105: {  	[sflag:s31] =	ssyncset.done $0x0  }
0x106: {  	[sflag:s31] =	ssyncadd.s32 $0xFFFFF580  }
.Ltmp3:
0x107: {  	_ =	swait.ge [sflag:s31], $0xA80;
	(pc) =	sbr.rel .LBB2_4-.Ltmp3, $4  }
0x108: {  	[sflag:s31] =	ssyncset.done $0x0  }
0x109: {  	[sflag:s31] =	ssyncadd.s32 $0xFFFFF580  }
0x10a: {  	[bflag:$0x0] =	sbarrier.arrive $0xFFFF  }
0x10b: {  	s30 =	simm.s32 $0x0  }
.LBB2_18:
0x10c: {  	[sflag:s26] =	ssyncadd.s32 $0xFFFFFF80  }
.LBB2_19:
0x10d: {  	p1 =	seq.s32 s30, $0x0  }
0x10e: {  	s0 =	simm.s32 @!p1 $0x3  }
0x10f: {  	_ =	swait.ge @!p1 [sflag:s0], $0xA80  }
0x110: {  	[sflag:s0] =	ssyncset.done @!p1 $0x0  }
0x111: {  	[sflag:s0] =	ssyncadd.s32 @!p1 $0xFFFFF580  }
0x112: {  	_ =	swait.ge @!p1 [sflag:s0], $0xA80  }
0x113: {  	[sflag:s0] =	ssyncset.done @!p1 $0x0  }
0x114: {  	[sflag:s0] =	ssyncadd.s32 @!p1 $0xFFFFF580  }
0x115: {  	_ =	swait.ge @!p1 [sflag:s0], $0xA80  }
0x116: {  	[sflag:s0] =	ssyncset.done @!p1 $0x0  }
0x117: {  	[sflag:s0] =	ssyncadd.s32 @!p1 $0xFFFFF580  }
0x118: {  	_ =	swait.ge @!p1 [sflag:s0], $0xA80  }
0x119: {  	[sflag:s0] =	ssyncset.done @!p1 $0x0  }
0x11a: {  	[sflag:s0] =	ssyncadd.s32 @!p1 $0xFFFFF580  }
0x11b: {  	_ =	swait.ge @!p1 [sflag:s0], $0xA80  }
0x11c: {  	[sflag:s0] =	ssyncset.done @!p1 $0x0  }
0x11d: {  	[sflag:s0] =	ssyncadd.s32 @!p1 $0xFFFFF580  }
0x11e: {  	_ =	swait.ge @!p1 [sflag:s0], $0xA80  }
0x11f: {  	[sflag:s0] =	ssyncset.done @!p1 $0x0  }
0x120: {  	[sflag:s0] =	ssyncadd.s32 @!p1 $0xFFFFF580  }
0x121: {  	_ =	swait.ge @!p1 [sflag:s0], $0xA80  }
0x122: {  	[sflag:s0] =	ssyncset.done @!p1 $0x0  }
0x123: {  	[sflag:s0] =	ssyncadd.s32 @!p1 $0xFFFFF580  }
0x124: {  	_ =	swait.ge @!p1 [sflag:s0], $0xA80  }
0x125: {  	[sflag:s0] =	ssyncset.done @!p1 $0x0  }
0x126: {  	[sflag:s0] =	ssyncadd.s32 @!p1 $0xFFFFF580  }
0x127: {  	_ =	swait.ge @!p1 [sflag:s0], $0xA80  }
0x128: {  	[sflag:s0] =	ssyncset.done @!p1 $0x0  }
0x129: {  	[sflag:s0] =	ssyncadd.s32 @!p1 $0xFFFFF580  }
0x12a: {  	_ =	swait.ge @!p1 [sflag:s0], $0xA80  }
0x12b: {  	[sflag:s0] =	ssyncset.done @!p1 $0x0  }
0x12c: {  	[sflag:s0] =	ssyncadd.s32 @!p1 $0xFFFFF580  }
0x12d: {  	_ =	swait.ge @!p1 [sflag:s0], $0xA80  }
0x12e: {  	[sflag:s0] =	ssyncset.done @!p1 $0x0  }
0x12f: {  	[sflag:s0] =	ssyncadd.s32 @!p1 $0xFFFFF580  }
0x130: {  	_ =	swait.ge @!p1 [sflag:s0], $0xA80  }
0x131: {  	[sflag:s0] =	ssyncset.done @!p1 $0x0  }
0x132: {  	[sflag:s0] =	ssyncadd.s32 @!p1 $0xFFFFF580  }
0x133: {  	_ =	swait.ge @!p1 [sflag:s0], $0xA80  }
0x134: {  	[sflag:s0] =	ssyncset.done @!p1 $0x0  }
0x135: {  	[sflag:s0] =	ssyncadd.s32 @!p1 $0xFFFFF580  }
0x136: {  	_ =	swait.ge @!p1 [sflag:s0], $0xA80  }
0x137: {  	[sflag:s0] =	ssyncset.done @!p1 $0x0  }
0x138: {  	[sflag:s0] =	ssyncadd.s32 @!p1 $0xFFFFF580  }
0x139: {  	_ =	swait.ge @!p1 [sflag:s0], $0xA80  }
0x13a: {  	[sflag:s0] =	ssyncset.done @!p1 $0x0  }
0x13b: {  	[sflag:s0] =	ssyncadd.s32 @!p1 $0xFFFFF580  }
0x13c: {  	_ =	swait.ge @!p1 [sflag:s0], $0xA80  }
0x13d: {  	[sflag:s0] =	ssyncset.done @!p1 $0x0  }
0x13e: {  	[sflag:s0] =	ssyncadd.s32 @!p1 $0xFFFFF580  }
0x13f: {  	_ =	swait.ge @!p1 [sflag:s0], $0xA80  }
0x140: {  	[sflag:s0] =	ssyncset.done @!p1 $0x0  }
0x141: {  	[sflag:s0] =	ssyncadd.s32 @!p1 $0xFFFFF580  }
0x142: {  	_ =	swait.ge @!p1 [sflag:s0], $0xA80  }
0x143: {  	[sflag:s0] =	ssyncset.done @!p1 $0x0  }
0x144: {  	[sflag:s0] =	ssyncadd.s32 @!p1 $0xFFFFF580  }
0x145: {  	_ =	swait.ge @!p1 [sflag:s0], $0xA80  }
0x146: {  	s1 =	sld [smem:$0x7E3];
	[sflag:s0] =	ssyncset.done @!p1 $0x0  }
0x147: {  	s3 =	sld [smem:$0x7E2];
	[sflag:s0] =	ssyncadd.s32 @!p1 $0xFFFFF580  }
0x148: {  	s0 =	rddreg [dreg:$0xc];
	[bflag:$0x0] =	sbarrier.arrive $0xFFFF  }
0x149: {  	s1 =	smul.u32 $0x498000, s1;
	s9 =	sld [smem:$0x7E4]  }
0x14a: {  	p2 =	sgt.u32 s3, $0x3;
	s8 =	sld [smem:$0x7E5]  }
0x14b: {  	s5 =	stileid.u32;
	s3 =	rddreg [dreg:$0xf];
	s0 =	sadd.s32 @p2 s0, s1  }
0x14c: {  	s30 =	sadd.s32 $0x1, s30;
	s7 =	rddreg [dreg:$0x6];
	s0 =	sadd.s32 @p2 s9, s0  }
0x14d: {  	s4 =	sshll.u32 @p2 s5, $0x6;
	s3 =	sadd.s32 @p2 s8, s3;
	s0 =	sshrl.u32 @p2 s0, $0x3  }
0x14e: {  	s4 =	sor.u32 @p2 $0x1C04, s4;
	s3 =	sshrl.u32 @p2 s3, $0x3;
	s0 =	sadd.s32 @p2 s7, s0  }
0x14f: {  	[hbm:s0], [sflag:s4] =	dma.local @p2 [spmem:s3], $0x17A0  }
0x150: {  	p0 =	sne.s32 s30, $0x18;
	s0 =	rddreg [dreg:$0xd]  }
.Ltmp4:
0x151: {  	s0 =	sadd.s32 @!p2 s0, s1;
	(pc) =	sbr.rel @!p0 .LBB2_20-.Ltmp4, $4  }
0x152: {  	s4 =	stileid.u32;
	s1 =	rddreg [dreg:$0x10];
	s0 =	sadd.s32 @!p2 s9, s0  }
0x153: {  	s3 =	sshll.u32 @!p2 s5, $0x6;
	s1 =	sadd.s32 @!p2 s8, s1;
	s0 =	sshrl.u32 @!p2 s0, $0x3  }
0x154: {  	s3 =	sor.u32 @!p2 $0x1C04, s3;
	s1 =	sshrl.u32 @!p2 s1, $0x3;
	s0 =	sadd.s32 @!p2 s7, s0  }
0x155: {  	[hbm:s0], [sflag:s3] =	dma.local @!p2 [spmem:s1], $0x18F0  }
.LBB2_4:
0x156: {  	s0 =	sshll.u32 s30, $0x1;
	s1 =	rddreg [dreg:$0x5];
	s4 =	sadd.s32 $0xFFFFFFFF, s30  }
0x157: {  	s5 =	smul.u32 $0xAB, s30;
	s31 =	sand.u32 $0x1, s30;
	s9 =	simm.s32 $0xC8000  }
0x158: {  	s22 =	rddreg [dreg:$0x9];
	s0 =	sor.u32 s1, s0;
	s7 =	sshll.u32 s4, $0x1  }
0x159: {  	s29 =	simm.s32 $0x0;
	s3 =	smulhi.u32 $0x2AAAAAAB, s0;
	s8 =	sor.u32 s1, s7  }
0x15a: {  	p2 =	seq.s32 s31, $0x1;
	s7 =	sshra.s32 s7, $0x1F;
	s10 =	smulhi.u32 $0x2AAAAAAB, s8  }
0x15b: {  	s5 =	sshrl.u32 s5, $0x9;
	s9 =	simm.s32 @!p2 $0x0;
	s7 =	smul.u32 $0x2AAAAAAB, s7  }
0x15c: {  	s25 =	sand.u32 $0x7F, s5;
	[smem:$0x7E5] =	sst s9;
	s3 =	smul.u32 $0x6, s3  }
0x15d: {  	s12 =	sand.u32 $0x80, s4;
	s1 =	simm.s32 $0x0;
	[smem:$0x7E3] =	sst s25  }
0x15e: {  	s20 =	smul.u32 $0x126000, s25;
	s5 =	sadd.s32 s7, s10;
	s11 =	ssub.s32 s0, s3  }
0x15f: {  	s25 =	rddreg [dreg:$0x1];
	s10 =	sshrl.u32 s5, $0x1F;
	s3 =	smul.u32 $0x24, s11  }
0x160: {  	p1 =	slt.u32 s11, $0x4;
	s7 =	smul.u32 $0x26, s11;
	s0 =	sadd.s32 s10, s5  }
0x161: {  	[smem:$0x7E2] =	sst s11;
	s5 =	sshrl.u32 s12, $0x7;
	s0 =	smul.u32 $0x6, s0  }
0x162: {  	s10 =	simm.s32 $0x1500;
	s19 =	sadd.s32 s5, s4;
	s3 =	sadd.s32 $0x8, s3  }
0x163: {  	s3 =	smov.u32 @p1 s7;
	s11 =	ssub.s32 s8, s0;
	s0 =	sand.u32 $0xFE, s19  }
0x164: {  	s19 =	sadd.s32 s22, s20;
	s20 =	sadd.s32 $0xC7800, s9;
	s8 =	simm.s32 $0x0  }
0x165: {  	s21 =	smul.u32 $0x5400, s3;
	p2 =	slt.s32 s11, $0x0;
	s3 =	sadd.s32 $0x6, s11  }
0x166: {  	s0 =	ssub.s32 s4, s0;
	s23 =	sshrl.u32 s19, $0x3;
	s4 =	simm.s32 $0xC7800  }
0x167: {  	s11 =	smov.u32 @p2 s3;
	s0 =	sshll.u32 s0, $0x18;
	s31 =	sadd.s32 s25, s23  }
0x168: {  	s3 =	sadd.s32 s6, s23;
	s23 =	rddreg [dreg:$0x12];
	s0 =	sshra.s32 s0, $0x18  }
0x169: {  	[tilespmem:s1], [sflag:$0x1] =	stream.linear.gather [hbm4b:s31+s1], $0xA80, $0x38;
	[tilespmem:$0x1EF80] =	vst v63  }
0x16a: {  	s4 =	simm.s32 @!p1 $0xBD000;
	s25 =	rddreg [dreg:$0x7];
	s0 =	smul.u32 $0xC8000, s0  }
.Ltmp5:
0x16b: {  	p1 =	por $0x0, $0x0;
	[smem:$0x7E4] =	sst s21;
	(pc) =	sbr.rel .LBB2_5-.Ltmp5, $4  }
0x16c: {  	[tilespmem:s10], [sflag:$0x1] =	stream.linear.gather [hbm4b:s3+s1], $0xA80, $0x38;
	[tilespmem:$0x1EF80] =	vst v63  }
0x16d: {  	s12 =	ssub.s32 s21, s9;
	s4 =	sadd.s32 s9, s4;
	s22 =	sadd.s32 s0, s2  }
0x16e: {  	s31 =	rddreg [dreg:$0xe];
	s21 =	sadd.s32 s0, s25;
	s5 =	sadd.s32 s23, s22  }
0x16f: {  	v3 =	vmov s9;
	v2 =	vmov s12;
	v4 =	vmov s4;
	s22 =	sadd.s32 s0, s31;
	s25 =	sadd.s32 $0xBD00, s21;
	s23 =	sadd.s32 $0xBD000, s5  }
.LBB2_14:
0x170: {  	s3 =	sadd.s32 $0x1, s29;
	p2 =	seq.s32 s29, $0x1B  }
0x171: {  	s1 =	smul.u32 @!p2 $0xA80, s3;
	p4 =	seq.s32 @!p2 s30, $0x0  }
0x172: {  	s0 =	sxor.u32 $0x1, s0;
	p5 =	por p4, p2  }
0x173: {  	s4 =	rddreg [dreg:$0x1];
	s1 =	sadd.s32 @!p2 s19, s1;
	p6 =	sne.s32 @!p5 s29, $0x8  }
0x174: {  	s0 =	smul.u32 @!p2 $0xA80, s0;
	s1 =	sshrl.u32 @!p2 s1, $0x3;
	p3 =	por @!p2 p6, p4  }
0x175: {  	s5 =	simm.s32 @!p2 $0x0;
	s4 =	sadd.s32 @!p2 s4, s1;
	p3 =	por p3, p2  }
0x176: {  	[tilespmem:s0], [sflag:$0x1] =	stream.linear.gather @!p2 [hbm4b:s4+s5], $0xA80, $0x38;
	[tilespmem:$0x1EF80] =	vst v63  }
0x177: {  	s1 =	sadd.s32 @!p2 s6, s1;
	s0 =	sadd.s32 @!p2 $0x1500, s0;
	p0 =	sgt.s32 @!p3 s11, $0x3  }
0x178: {  	[tilespmem:s0], [sflag:$0x1] =	stream.linear.gather @!p2 [hbm4b:s1+s5], $0xA80, $0x38;
	[tilespmem:$0x1EF80] =	vst v63  }
0x179: {  	s0 =	simm.s32 @!p0 $0x0  }
0x17a: {  	s0 =	simm.s32 @p0 $0x1  }
0x17b: {  	p0 =	por @!p5 !p0, p6;
	[smem:$0x7DF] =	sst s0  }
0x17c: {  	s0 =	simm.s32 @!p0 $0x0;
	p1 =	por @!p2 p0, p4;
	s10 =	sld [smem:$0x7DF]  }
0x17d: {  	s0 =	simm.s32 @p0 $0x1;
	p1 =	por p1, p2  }
0x17e: {  	[smem:$0x7E0] =	sst s0;
	s0 =	simm.s32 @!p1 $0x4  }
0x17f: {  	_ =	swait.ge @!p1 [sflag:s0], $0x17A0;
	p0 =	seq.s32 s10, $0x1  }
0x180: {  	s12 =	sld [smem:$0x7E0];
	p0 =	por @!p5 p0, p6  }
0x181: {  	p0 =	por @!p2 p0, p4  }
0x182: {  	[sflag:s0] =	ssyncset.done @!p1 $0x0;
	p0 =	por p0, p2  }
0x183: {  	[sflag:s0] =	ssyncadd.s32 @!p1 $0xFFFFE860;
	p1 =	seq.s32 s12, $0x1;
	s0 =	simm.s32 @!p0 $0x4  }
0x184: {  	p1 =	por @!p2 !p1, p4;
	_ =	swait.ge @!p0 [sflag:s0], $0x18F0  }
0x185: {  	s1 =	smov.u32 s22;
	p4 =	por !p1, p2;
	[sflag:s0] =	ssyncset.done @!p0 $0x0  }
0x186: {  	s1 =	smov.u32 @p4 s21;
	[sflag:s0] =	ssyncadd.s32 @!p0 $0xFFFFE710;
	s0 =	simm.s32 @!p3 $0x5500  }
0x187: {  	[spmem:s1] =	stream.linear.scatter @!p3 [tilespmem:s0], [sflag:$0x3], $0xA80, $0x38;
	[tilespmem:$0x1EF80] =	vst v63  }
0x188: {  	s4 =	sadd.s32 @!p3 $0xA80, s1  }
0x189: {  	[spmem:s4] =	stream.linear.scatter @!p3 [tilespmem:s0], [sflag:$0x3], $0xA80, $0x38;
	[tilespmem:$0x1EF80] =	vst v63  }
0x18a: {  	s4 =	sadd.s32 @!p3 $0x1500, s1  }
0x18b: {  	[spmem:s4] =	stream.linear.scatter @!p3 [tilespmem:s0], [sflag:$0x3], $0xA80, $0x38;
	[tilespmem:$0x1EF80] =	vst v63  }
0x18c: {  	s4 =	sadd.s32 @!p3 $0x1F80, s1  }
0x18d: {  	[spmem:s4] =	stream.linear.scatter @!p3 [tilespmem:s0], [sflag:$0x3], $0xA80, $0x38;
	[tilespmem:$0x1EF80] =	vst v63  }
0x18e: {  	s4 =	sadd.s32 @!p3 $0x2A00, s1  }
0x18f: {  	[spmem:s4] =	stream.linear.scatter @!p3 [tilespmem:s0], [sflag:$0x3], $0xA80, $0x38;
	[tilespmem:$0x1EF80] =	vst v63  }
0x190: {  	s4 =	sadd.s32 @!p3 $0x3480, s1  }
0x191: {  	[spmem:s4] =	stream.linear.scatter @!p3 [tilespmem:s0], [sflag:$0x3], $0xA80, $0x38;
	[tilespmem:$0x1EF80] =	vst v63  }
0x192: {  	s4 =	sadd.s32 @!p3 $0x3F00, s1  }
0x193: {  	[spmem:s4] =	stream.linear.scatter @!p3 [tilespmem:s0], [sflag:$0x3], $0xA80, $0x38;
	[tilespmem:$0x1EF80] =	vst v63  }
0x194: {  	s4 =	sadd.s32 @!p3 $0x4980, s1  }
0x195: {  	[spmem:s4] =	stream.linear.scatter @!p3 [tilespmem:s0], [sflag:$0x3], $0xA80, $0x38;
	[tilespmem:$0x1EF80] =	vst v63  }
0x196: {  	s4 =	sadd.s32 @!p3 $0x5400, s1  }
0x197: {  	[spmem:s4] =	stream.linear.scatter @!p3 [tilespmem:s0], [sflag:$0x3], $0xA80, $0x38;
	[tilespmem:$0x1EF80] =	vst v63  }
0x198: {  	s4 =	sadd.s32 @!p3 $0x5E80, s1  }
0x199: {  	[spmem:s4] =	stream.linear.scatter @!p3 [tilespmem:s0], [sflag:$0x3], $0xA80, $0x38;
	[tilespmem:$0x1EF80] =	vst v63  }
0x19a: {  	s4 =	sadd.s32 @!p3 $0x6900, s1  }
0x19b: {  	[spmem:s4] =	stream.linear.scatter @!p3 [tilespmem:s0], [sflag:$0x3], $0xA80, $0x38;
	[tilespmem:$0x1EF80] =	vst v63  }
0x19c: {  	s4 =	sadd.s32 @!p3 $0x7380, s1  }
0x19d: {  	[spmem:s4] =	stream.linear.scatter @!p3 [tilespmem:s0], [sflag:$0x3], $0xA80, $0x38;
	[tilespmem:$0x1EF80] =	vst v63  }
0x19e: {  	s4 =	sadd.s32 @!p3 $0x7E00, s1  }
0x19f: {  	[spmem:s4] =	stream.linear.scatter @!p3 [tilespmem:s0], [sflag:$0x3], $0xA80, $0x38;
	[tilespmem:$0x1EF80] =	vst v63  }
0x1a0: {  	s4 =	sadd.s32 @!p3 $0x8880, s1  }
0x1a1: {  	[spmem:s4] =	stream.linear.scatter @!p3 [tilespmem:s0], [sflag:$0x3], $0xA80, $0x38;
	[tilespmem:$0x1EF80] =	vst v63  }
0x1a2: {  	s4 =	sadd.s32 @!p3 $0x9300, s1  }
0x1a3: {  	[spmem:s4] =	stream.linear.scatter @!p3 [tilespmem:s0], [sflag:$0x3], $0xA80, $0x38;
	[tilespmem:$0x1EF80] =	vst v63  }
0x1a4: {  	p0 =	seq.s32 @!p2 s3, $0x1C;
	s4 =	sadd.s32 @!p3 $0x9D80, s1  }
0x1a5: {  	[spmem:s4] =	stream.linear.scatter @!p3 [tilespmem:s0], [sflag:$0x3], $0xA80, $0x38;
	[tilespmem:$0x1EF80] =	vst v63  }
0x1a6: {  	s31 =	sld [smem:$0x7E1];
	p0 =	por p2, p0;
	s4 =	sadd.s32 @!p3 $0xA800, s1  }
0x1a7: {  	[spmem:s4] =	stream.linear.scatter @!p3 [tilespmem:s0], [sflag:$0x3], $0xA80, $0x38;
	[tilespmem:$0x1EF80] =	vst v63  }
.Ltmp6:
0x1a8: {  	s1 =	sadd.s32 @!p3 $0xB280, s1;
	(pc) =	sbr.rel @p0 .LBB2_15-.Ltmp6, $4  }
0x1a9: {  	[spmem:s1] =	stream.linear.scatter @!p3 [tilespmem:s0], [sflag:$0x3], $0xA80, $0x38;
	[tilespmem:$0x1EF80] =	vst v63  }
0x1aa: {  	p1 =	seq.s32 s31, $0x1;
	s1 =	smov.u32 s23  }
0x1ab: {  	s29 =	smov.u32 s3;
	p1 =	por @!p2 !p1, !p1;
	s1 =	smov.u32 @p4 s25  }
0x1ac: {  	[spmem:s1] =	stream.linear.scatter @!p3 [tilespmem:s0], [sflag:$0x3], $0xA80, $0x38;
	[tilespmem:$0x1EF80] =	vst v63  }
.LBB2_5:
0x1ad: {  	s4 =	simm.s32 $0x1  }
0x1ae: {  	s4 =	simm.s32 @!p1 $0x0  }
0x1af: {  	s0 =	smul.u32 $0x2A00, s4;
	_ =	sdelay $0x1  }
0x1b0: {  	s3 =	sshrl.u32 s0, $0x2  }
0x1b1: {  	_ =	swait.ge [sflag:s24], $0xA80;
	s0 =	sor.u32 $0x40, s3  }
0x1b2: {  	[sflag:s24] =	ssyncset.done $0x0;
	v5 =	vmov s0  }
0x1b3: {  	[sflag:s24] =	ssyncadd.s32 $0xFFFFF580  }
0x1b4: {  	_ =	swait.ge [sflag:s24], $0xA80  }
0x1b5: {  	[sflag:s24] =	ssyncset.done $0x0  }
0x1b6: {  	s5 =	simm.s32 $0x0;
	[sflag:s24] =	ssyncadd.s32 $0xFFFFF580  }
0x1b7: {  	v6 =	vld.idx.msk [tilespmem:v5+s5+$0xFFFFFFC0 ss:$0x1], $0xffff;
	_ =	sdelay $0x2  }
0x1b8: {  	v7 =	vld.idx.msk [tilespmem:v5+s5+$0xFFFFFFD0 ss:$0x1], $0xffff  }
0x1b9: {  	v8 =	vld.idx.msk [tilespmem:v5+s5+$0xFFFFFFE0 ss:$0x1], $0xffff  }
0x1ba: {  	v11 =	vsub.s32 v6, v2  }
0x1bb: {  	vm0 =	vge.s32 v11, v3;
	vm1 =	vlt.s32 v11, v4  }
0x1bc: {  	v6 =	vld.idx.msk [tilespmem:v5+s5+$0xFFFFFFF0 ss:$0x1], $0xffff;
	vm0 =	vmand vm0, vm1  }
0x1bd: {  	v12 =	vsub.s32 v7, v2;
	v7 =	vld.idx.msk [tilespmem:v5+s5+$0x0 ss:$0x1], $0xffff;
	v9 =	vmpcnt.ones.xlane vm0  }
0x1be: {  	v13 =	vsub.s32 v8, v2;
	v8 =	vld.idx.msk [tilespmem:v5+s5+$0x10 ss:$0x1], $0xffff;
	vm2 =	vlt.s32 v12, v4;
	vm1 =	vge.s32 v12, v3  }
0x1bf: {  	vm1 =	vmand vm1, vm2;
	(v2sf) =	vpush v9, $0x0  }
0x1c0: {  	vm3 =	vlt.s32 v13, v4;
	vm2 =	vge.s32 v13, v3;
	v9 =	vmpcnt.ones.xlane vm1  }
0x1c1: {  	s7 =	sadd.s32 $0x1570, s3;
	vm5 =	vmand vm2, vm3;
	v14 =	vsub.s32 v6, v2  }
0x1c2: {  	v6 =	vmov s7;
	v10 =	vmpcnt.ones.xlane vm5;
	(v2sf) =	vpush v9, $0x0  }
0x1c3: {  	v15 =	vsub.s32 v7, v2;
	v17 =	vsub.s32 v8, v2;
	vm2 =	vge.s32 v14, v3  }
0x1c4: {  	s0 =	sand.u32 $0x1, s29;
	vm3 =	vlt.s32 v14, v4;
	vm6 =	vlt.s32 v17, v4;
	(v2sf) =	vpush v10, $0x0  }
0x1c5: {  	v16 =	vld.idx.msk [tilespmem:v5+s5+$0x20 ss:$0x1], $0xffff;
	s7 =	smul.u32 $0x2C00, s0;
	vm4 =	vmand vm2, vm3;
	vm2 =	vge.s32 v15, v3;
	vm3 =	vlt.s32 v15, v4  }
0x1c6: {  	v18 =	vld.idx.msk [tilespmem:v5+s5+$0x30 ss:$0x1], $0xffff;
	v7 =	vmpcnt.ones.xlane vm4;
	vm2 =	vmand vm2, vm3;
	vm3 =	vge.s32 v17, v3  }
0x1c7: {  	s31 =	smul.u32 $0xA80, s0;
	s7 =	sshrl.u32 s7, $0x2;
	v8 =	vmpcnt.ones.xlane vm2;
	vm3 =	vmand vm3, vm6;
	v9 =	vld.idx.msk [tilespmem:v6+s5+$0x0 ss:$0x1], $0xffff  }
0x1c8: {  	s10 =	sadd.s32 $0x2A00, s7;
	(v2sf) =	vpush v7, $0x0;
	v7 =	vmpcnt.ones.xlane vm3;
	v10 =	vld.idx.msk [tilespmem:v6+s5+$0xFFFFFFF0 ss:$0x1], $0xffff  }
0x1c9: {  	s9 =	sor.u32 $0x4000, s31;
	v19 =	vld.idx.msk [tilespmem:v6+s5+$0xFFFFFFE0 ss:$0x1], $0xffff;
	(v2sf) =	vpush v8, $0x0;
	v8 =	vmov s10  }
0x1ca: {  	v20 =	vld.idx.msk [tilespmem:v6+s5+$0xFFFFFF90 ss:$0x1], $0xffff;
	(v2sf) =	vpush v7, $0x0;
	v7 =	vmov s9  }
0x1cb: {  	v21 =	vld.idx.msk [tilespmem:v6+s5+$0xFFFFFFD0 ss:$0x1], $0xffff  }
0x1cc: {  	v22 =	vld.idx.msk [tilespmem:v6+s5+$0xFFFFFFA0 ss:$0x1], $0xffff  }
0x1cd: {  	s12 =	simm.s32 $0x0;
	v23 =	vld.idx.msk [tilespmem:v6+s5+$0xFFFFFFC0 ss:$0x1], $0xffff  }
0x1ce: {  	v24 =	vld.idx.msk [tilespmem:v6+s5+$0xFFFFFFB0 ss:$0x1], $0xffff;
	[tilespmem:v8+s12+$0x0 ss:$0x1] =	vst.idx.msk vm0, v11;
	s1 =	spop (v2sf)  }
0x1cf: {  	[tilespmem:v7+s12+$0x0 ss:$0x1] =	vst.idx.msk vm0, v20;
	s5 =	sadd.s32 $0x0, s1  }
0x1d0: {  	[tilespmem:v8+s5+$0x0 ss:$0x1] =	vst.idx.msk vm1, v12;
	v12 =	vsub.s32 v16, v2  }
0x1d1: {  	s9 =	spop (v2sf);
	[tilespmem:v7+s5+$0x0 ss:$0x1] =	vst.idx.msk vm1, v22;
	vm0 =	vge.s32 v12, v3;
	vm1 =	vlt.s32 v12, v4  }
0x1d2: {  	v11 =	vsub.s32 v18, v2;
	s7 =	sadd.s32 s5, s9;
	vm0 =	vmand vm0, vm1  }
0x1d3: {  	vm15 =	vge.s32 v11, v3;
	s12 =	spop (v2sf);
	[tilespmem:v8+s7+$0x0 ss:$0x1] =	vst.idx.msk vm5, v13;
	vm1 =	vlt.s32 v11, v4;
	v13 =	vmpcnt.ones.xlane vm0  }
0x1d4: {  	s5 =	sadd.s32 s7, s12;
	[tilespmem:v7+s7+$0x0 ss:$0x1] =	vst.idx.msk vm5, v24;
	vm1 =	vmand vm15, vm1  }
0x1d5: {  	[tilespmem:v8+s5+$0x0 ss:$0x1] =	vst.idx.msk vm4, v14;
	v14 =	vmpcnt.ones.xlane vm1;
	(v2sf) =	vpush v13, $0x0;
	_ =	sdelay $0x1  }
0x1d6: {  	(v2sf) =	vpush v14, $0x0;
	_ =	sdelay $0x5  }
0x1d7: {  	s1 =	spop (v2sf)  }
0x1d8: {  	s4 =	smul.u32 $0x2C00, s4;
	s7 =	sadd.s32 s5, s1;
	[tilespmem:v7+s5+$0x0 ss:$0x1] =	vst.idx.msk vm4, v23  }
0x1d9: {  	s9 =	spop (v2sf);
	[tilespmem:v8+s7+$0x0 ss:$0x1] =	vst.idx.msk vm2, v15  }
0x1da: {  	s4 =	sshrl.u32 s4, $0x2;
	s1 =	sadd.s32 s7, s9;
	[tilespmem:v7+s7+$0x0 ss:$0x1] =	vst.idx.msk vm2, v21  }
0x1db: {  	s5 =	sadd.s32 $0x2A00, s4;
	s12 =	spop (v2sf);
	[tilespmem:v8+s1+$0x0 ss:$0x1] =	vst.idx.msk vm3, v17  }
0x1dc: {  	s31 =	sadd.s32 s1, s12;
	s7 =	sor.u32 $0x4000, s3;
	s3 =	simm.s32 $0x200;
	[tilespmem:v7+s1+$0x0 ss:$0x1] =	vst.idx.msk vm3, v19  }
.LBB2_6:
0x1dd: {  	p2 =	sne.s32 s3, $0x2800  }
0x1de: {  	[tilespmem:v8+s31+$0x0 ss:$0x1] =	vst.idx.msk vm0, v12;
	s1 =	spop (v2sf);
	s4 =	smov.u32 s3;
	s3 =	sadd.s32 $0x200, s3  }
0x1df: {  	s4 =	sshra.s32 s4, $0x2;
	s1 =	sadd.s32 s31, s1;
	[tilespmem:v7+s31+$0x0 ss:$0x1] =	vst.idx.msk vm0, v10  }
0x1e0: {  	[tilespmem:v8+s1+$0x0 ss:$0x1] =	vst.idx.msk vm1, v11;
	s31 =	spop (v2sf)  }
0x1e1: {  	s31 =	sadd.s32 s1, s31;
	[tilespmem:v7+s1+$0x0 ss:$0x1] =	vst.idx.msk vm1, v9  }
0x1e2: {  	v9 =	vld.idx.msk [tilespmem:v5+s4+$0xFFFFFFC0 ss:$0x1], $0xffff  }
0x1e3: {  	v10 =	vld.idx.msk [tilespmem:v5+s4+$0xFFFFFFD0 ss:$0x1], $0xffff  }
0x1e4: {  	v11 =	vld.idx.msk [tilespmem:v5+s4+$0xFFFFFFE0 ss:$0x1], $0xffff;
	_ =	sdelay $0x1  }
0x1e5: {  	v12 =	vld.idx.msk [tilespmem:v5+s4+$0xFFFFFFF0 ss:$0x1], $0xffff;
	_ =	sdelay $0x1  }
0x1e6: {  	v13 =	vsub.s32 v9, v2  }
0x1e7: {  	vm0 =	vge.s32 v13, v3;
	vm1 =	vlt.s32 v13, v4;
	v9 =	vld.idx.msk [tilespmem:v5+s4+$0x0 ss:$0x1], $0xffff  }
0x1e8: {  	v14 =	vsub.s32 v10, v2;
	vm2 =	vmand vm0, vm1  }
0x1e9: {  	vm0 =	vge.s32 v14, v3;
	vm1 =	vlt.s32 v14, v4;
	v10 =	vmpcnt.ones.xlane vm2;
	v15 =	vld.idx.msk [tilespmem:v5+s4+$0x10 ss:$0x1], $0xffff  }
0x1ea: {  	v16 =	vsub.s32 v11, v2;
	vm3 =	vmand vm0, vm1  }
0x1eb: {  	vm0 =	vge.s32 v16, v3;
	vm1 =	vlt.s32 v16, v4;
	(v2sf) =	vpush v10, $0x0  }
0x1ec: {  	vm4 =	vmand vm0, vm1;
	v17 =	vsub.s32 v12, v2;
	v10 =	vmpcnt.ones.xlane vm3  }
0x1ed: {  	v11 =	vmpcnt.ones.xlane vm4;
	vm0 =	vge.s32 v17, v3;
	vm1 =	vlt.s32 v17, v4;
	v12 =	vld.idx.msk [tilespmem:v5+s4+$0x20 ss:$0x1], $0xffff  }
0x1ee: {  	vm5 =	vmand vm0, vm1;
	v18 =	vsub.s32 v9, v2;
	v19 =	vld.idx.msk [tilespmem:v5+s4+$0x30 ss:$0x1], $0xffff;
	(v2sf) =	vpush v10, $0x0  }
0x1ef: {  	vm0 =	vge.s32 v18, v3;
	vm1 =	vlt.s32 v18, v4;
	(v2sf) =	vpush v11, $0x0  }
0x1f0: {  	v9 =	vmpcnt.ones.xlane vm5;
	vm6 =	vmand vm0, vm1;
	v15 =	vsub.s32 v15, v2  }
0x1f1: {  	v10 =	vmpcnt.ones.xlane vm6;
	vm0 =	vge.s32 v15, v3;
	vm1 =	vlt.s32 v15, v4  }
0x1f2: {  	vm7 =	vmand vm0, vm1;
	(v2sf) =	vpush v9, $0x0  }
0x1f3: {  	v20 =	vmpcnt.ones.xlane vm7;
	v12 =	vsub.s32 v12, v2;
	v9 =	vld.idx.msk [tilespmem:v6+s4+$0x0 ss:$0x1], $0xffff;
	(v2sf) =	vpush v10, $0x0  }
0x1f4: {  	vm0 =	vge.s32 v12, v3;
	vm1 =	vlt.s32 v12, v4;
	v11 =	vsub.s32 v19, v2;
	v10 =	vld.idx.msk [tilespmem:v6+s4+$0xFFFFFFF0 ss:$0x1], $0xffff  }
0x1f5: {  	vm0 =	vmand vm0, vm1;
	vm1 =	vlt.s32 v11, v4;
	v19 =	vld.idx.msk [tilespmem:v6+s4+$0xFFFFFFE0 ss:$0x1], $0xffff;
	(v2sf) =	vpush v20, $0x0  }
0x1f6: {  	vm8 =	vge.s32 v11, v3;
	v21 =	vmpcnt.ones.xlane vm0;
	v20 =	vld.idx.msk [tilespmem:v6+s4+$0xFFFFFF90 ss:$0x1], $0xffff  }
0x1f7: {  	vm1 =	vmand vm8, vm1;
	v22 =	vld.idx.msk [tilespmem:v6+s4+$0xFFFFFFD0 ss:$0x1], $0xffff  }
0x1f8: {  	v24 =	vmpcnt.ones.xlane vm1;
	v23 =	vld.idx.msk [tilespmem:v6+s4+$0xFFFFFFA0 ss:$0x1], $0xffff;
	(v2sf) =	vpush v21, $0x0  }
0x1f9: {  	v21 =	vld.idx.msk [tilespmem:v6+s4+$0xFFFFFFC0 ss:$0x1], $0xffff  }
0x1fa: {  	v25 =	vld.idx.msk [tilespmem:v6+s4+$0xFFFFFFB0 ss:$0x1], $0xffff;
	s1 =	spop (v2sf);
	(v2sf) =	vpush v24, $0x0  }
0x1fb: {  	[tilespmem:v8+s31+$0x0 ss:$0x1] =	vst.idx.msk vm2, v13  }
0x1fc: {  	s1 =	sadd.s32 s31, s1;
	[tilespmem:v7+s31+$0x0 ss:$0x1] =	vst.idx.msk vm2, v20  }
0x1fd: {  	[tilespmem:v8+s1+$0x0 ss:$0x1] =	vst.idx.msk vm3, v14;
	s4 =	spop (v2sf)  }
0x1fe: {  	s4 =	sadd.s32 s1, s4;
	[tilespmem:v7+s1+$0x0 ss:$0x1] =	vst.idx.msk vm3, v23;
	s1 =	spop (v2sf)  }
0x1ff: {  	[tilespmem:v8+s4+$0x0 ss:$0x1] =	vst.idx.msk vm4, v16  }
0x200: {  	s1 =	sadd.s32 s4, s1;
	[tilespmem:v7+s4+$0x0 ss:$0x1] =	vst.idx.msk vm4, v25  }
0x201: {  	[tilespmem:v8+s1+$0x0 ss:$0x1] =	vst.idx.msk vm5, v17;
	s4 =	spop (v2sf)  }
.Ltmp7:
0x202: {  	s4 =	sadd.s32 s1, s4;
	[tilespmem:v7+s1+$0x0 ss:$0x1] =	vst.idx.msk vm5, v21;
	s1 =	spop (v2sf);
	(pc) =	sbr.rel @p2 .LBB2_6-.Ltmp7, $4  }
0x203: {  	[tilespmem:v8+s4+$0x0 ss:$0x1] =	vst.idx.msk vm6, v18  }
0x204: {  	s1 =	sadd.s32 s4, s1;
	[tilespmem:v7+s4+$0x0 ss:$0x1] =	vst.idx.msk vm6, v22;
	s4 =	spop (v2sf)  }
0x205: {  	[tilespmem:v8+s1+$0x0 ss:$0x1] =	vst.idx.msk vm7, v15  }
0x206: {  	s31 =	sadd.s32 s1, s4;
	[tilespmem:v7+s1+$0x0 ss:$0x1] =	vst.idx.msk vm7, v19  }
0x207: {  	_ =	sdelay $0x1  }
0x208: {  	s3 =	spop (v2sf)  }
0x209: {  	s9 =	sadd.s32 s31, s3;
	s12 =	spop (v2sf)  }
0x20a: {  	s1 =	sshll.u32 s29, $0x8;
	s3 =	sadd.s32 s9, s12;
	s12 =	rddreg [dreg:$0xa]  }
0x20b: {  	[tilespmem:v8+s31+$0x0 ss:$0x1] =	vst.idx.msk vm0, v12;
	p2 =	seq.s32 s29, $0x0;
	s4 =	sadd.s32 s13, s1;
	s12 =	sadd.s32 s1, s12  }
0x20c: {  	[tilespmem:v7+s31+$0x0 ss:$0x1] =	vst.idx.msk vm0, v10;
	s4 =	sand.u32 $0x7C0, s4;
	s31 =	sand.u32 $0x7D0, s12;
	s12 =	rddreg [dreg:$0xb]  }
0x20d: {  	[tilespmem:v8+s9+$0x0 ss:$0x1] =	vst.idx.msk vm1, v11;
	s4 =	sor.u32 s20, s4;
	s10 =	sadd.s32 s3, s10;
	s12 =	sadd.s32 s1, s12  }
0x20e: {  	[tilespmem:v7+s9+$0x0 ss:$0x1] =	vst.idx.msk vm1, v9;
	v5 =	vor.u32 s4, v1;
	s9 =	sor.u32 s20, s31;
	s31 =	sadd.s32 s1, s14;
	s12 =	sand.u32 $0x7E0, s12  }
0x20f: {  	[tilespmem:s10+$0x0] =	vst v5;
	v5 =	vor.u32 s9, v1;
	s9 =	sor.u32 s20, s12;
	s12 =	sand.u32 $0x7F0, s31;
	s31 =	sadd.s32 s1, s15  }
0x210: {  	p3 =	slt.s32 @!p2 s8, $0x1;
	[tilespmem:s10+$0x10] =	vst v5;
	v5 =	vor.u32 s9, v1;
	s9 =	sor.u32 s20, s12;
	s12 =	sand.u32 $0x7C0, s31  }
0x211: {  	p2 =	por p2, p3;
	s31 =	sadd.s32 s1, s16;
	[tilespmem:s10+$0x20] =	vst v5;
	v5 =	vor.u32 s9, v1;
	s9 =	sor.u32 s20, s12  }
0x212: {  	s12 =	sand.u32 $0x7D0, s31;
	s31 =	sadd.s32 s1, s17;
	s1 =	sadd.s32 s1, s18  }
.Ltmp8:
0x213: {  	v6 =	vor.u32 s9, v1;
	[tilespmem:s10+$0x30] =	vst v5;
	s9 =	sor.u32 s20, s12;
	s12 =	sand.u32 $0x7E0, s31;
	(pc) =	sbr.rel @p2 .LBB2_11-.Ltmp8, $4  }
0x214: {  	s1 =	sand.u32 $0x7F0, s1;
	v5 =	vor.u32 s9, v1;
	[tilespmem:s10+$0x40] =	vst v6;
	s31 =	sor.u32 s20, s12  }
0x215: {  	s1 =	sor.u32 s20, s1;
	[tilespmem:s10+$0x50] =	vst v5;
	v5 =	vor.u32 s31, v1  }
0x216: {  	[tilespmem:s10+$0x60] =	vst v5;
	v5 =	vor.u32 s1, v1  }
0x217: {  	[tilespmem:s10+$0x70] =	vst v5  }
0x218: {  	p2 =	sne.s32 s8, $0x1  }
.Ltmp9:
0x219: {  	_ = 	snop;
	(pc) =	sbr.rel @!p2 .LBB2_10-.Ltmp9, $3  }
0x21a: {  	_ =	sdelay $0x1  }
0x21b: {  	_ =	swait.ge [sflag:s26], $0x80  }
0x21c: {  	s4 =	sadd.s32 $0xFFFFFFFF, s8;
	[sflag:s26] =	ssyncset.done $0x0  }
.LBB2_9:
0x21d: {  	p2 =	sne.s32 s4, $0x1;
	s4 =	sadd.s32 $0xFFFFFFFF, s4;
	[sflag:s26] =	ssyncadd.s32 $0xFFFFFF80  }
.Ltmp10:
0x21e: {  	(pc) =	sbr.rel @p2 .LBB2_9-.Ltmp10, $3  }
0x21f: {  	_ =	sdelay $0x1  }
0x220: {  	_ =	swait.ge [sflag:s26], $0x80  }
0x221: {  	[sflag:s26] =	ssyncset.done $0x0  }
.LBB2_10:
0x222: {  	[sflag:s26] =	ssyncadd.s32 $0xFFFFFF80  }
.LBB2_11:
0x223: {  	s1 =	simm.s32 @!p1 $0x0;
	s12 =	sadd.s32 $0x7F, s3  }
0x224: {  	s1 =	simm.s32 @p1 $0x1;
	s3 =	sand.u32 $0x7F, s12  }
0x225: {  	s4 =	sshra.s32 s12, $0x1F;
	p2 =	slt.s32 s12, $0x1;
	p3 =	sne.s32 s3, $0x0  }
0x226: {  	[smem:$0x7E1] =	sst s1;
	s31 =	sshrl.u32 s4, $0x19;
	p2 =	por !p2, !p3  }
0x227: {  	s3 =	simm.s32 $0x1;
	s1 =	sadd.s32 s31, s12;
	p2 =	por !p2, !p2  }
0x228: {  	s1 =	sshra.s32 s1, $0x7;
	s3 =	simm.s32 @!p2 $0x0  }
0x229: {  	s8 =	ssub.s32 s1, s3  }
0x22a: {  	p2 =	slt.s32 s8, $0x1  }
.Ltmp11:
0x22b: {  	_ = 	snop;
	(pc) =	sbr.rel @p2 .LBB2_14-.Ltmp11, $1  }
0x22c: {  	_ =	sdelay $0x3  }
0x22d: {  	p2 =	sne.s32 s8, $0x1  }
.Ltmp12:
0x22e: {  	_ = 	snop;
	(pc) =	sbr.rel @!p2 .LBB2_14-.Ltmp12, $3  }
0x22f: {  	_ =	sdelay $0x1  }
0x230: {  	[spmem:s2] =	stream.indirect.scatter.add.f32 [tilespmem:s7], [sflag:$0x2], $0x1, s5, s28, $0xb8;
	[tilespmem:$0x1EF80] =	vst v63  }
0x231: {  	s3 =	sadd.s32 $0xFFFFFFFF, s8  }
.LBB2_13:
0x232: {  	p2 =	sne.s32 s3, $0x1  }
.Ltmp13:
0x233: {  	_ = 	snop;
	(pc) =	sbr.rel @p2 .LBB2_13-.Ltmp13, $4  }
0x234: {  	_ = 	snop  }
0x235: {  	s5 =	sadd.s32 $0x80, s5;
	s7 =	sadd.s32 $0x80, s7  }
0x236: {  	s3 =	sadd.s32 $0xFFFFFFFF, s3  }
0x237: {  	[spmem:s2] =	stream.indirect.scatter.add.f32 [tilespmem:s7], [sflag:$0x2], $0x1, s5, s28, $0xb8;
	[tilespmem:$0x1EF80] =	vst v63  }
.Ltmp14:
0x238: {  	_ = 	snop;
	(pc) =	sbr.rel .LBB2_14-.Ltmp14, $1  }
0x239: {  	_ =	sdelay $0x3  }
.LBB2_15:
0x23a: {  	p1 =	sgt.s32 s8, $0x0  }
.Ltmp15:
0x23b: {  	_ = 	snop;
	(pc) =	sbr.rel @!p1 .LBB2_19-.Ltmp15, $2  }
0x23c: {  	_ =	sdelay $0x2  }
0x23d: {  	s0 =	simm.s32 $0x0  }
0x23e: {  	s0 =	sadd.s32 $0x1, s0  }
0x23f: {  	p0 =	slt.s32 s0, s8  }
.Ltmp16:
0x240: {  	_ = 	snop;
	(pc) =	sbr.rel @!p0 .LBB2_18-.Ltmp16, $3  }
0x241: {  	_ =	sdelay $0x1  }
0x242: {  	_ =	swait.ge [sflag:s26], $0x80  }
0x243: {  	[sflag:s26] =	ssyncset.done $0x0  }
.LBB2_17:
0x244: {  	s0 =	sadd.s32 $0x1, s0  }
0x245: {  	[sflag:s26] =	ssyncadd.s32 $0xFFFFFF80;
	p0 =	slt.s32 s0, s8  }
.Ltmp17:
0x246: {  	(pc) =	sbr.rel @p0 .LBB2_17-.Ltmp17, $3  }
0x247: {  	_ =	sdelay $0x1  }
0x248: {  	_ =	swait.ge [sflag:s26], $0x80  }
0x249: {  	[sflag:s26] =	ssyncset.done $0x0  }
.Ltmp18:
0x24a: {  	_ = 	snop;
	(pc) =	sbr.rel .LBB2_18-.Ltmp18, $1  }
0x24b: {  	_ =	sdelay $0x3  }
.LBB2_21:
0x24c: {  	_ =	sfence.sel $0x180000  }
0x24d: {  	[bflag:$0x0] =	sbarrier.arrive $0xFFFF  }
0x24e: {  	_ =	strace $0x90000047  }
0x24f: {  	[bflag:$0x2] =	sbarrier.arrive $0xFFFF  }
0x250: {  	p0 =	sne.s32 s4, $0x0;
	s0 =	rddreg [dreg:$0x3]  }
0x251: {  	s0 =	sadd.s32 @!p0 $0x100000, s0  }
0x252: {  	[sflag:s0] =	ssyncadd.tile.s32 @!p0 $0x1;
	_ =	shalt  }
.Lfunc_end2:
_tile_overlayer_lowered:
.L_overlay_start_2:
0x253: {  	(tag) =	ssettag $0x2  }
0x254: {  	s0 =	rddreg [dreg:$0x0];
	s2 =	stileid.u32  }
0x255: {  	s1 =	rddreg [dreg:$0x1];
	p0 =	sne.s32 s2, $0x0  }
0x256: {  	s3 =	rddreg [dreg:$0x2];
	[bflag:$0x3] =	sbarrier.arrive $0xFFFF;
	s2 =	simm.s32 @!p0 $0x1C05  }
0x257: {  	[timem:s3], [sflag:s2] =	dma.local @!p0 [hbm:s0], s1  }
0x258: {  	s0 =	simm.s32 @!p0 $0x5  }
0x259: {  	_ =	swait.ge @!p0 [sflag:s0], s1  }
0x25a: {  	s1 =	ssub.s32 @!p0 $0x0, s1;
	[sflag:s0] =	ssyncset.done @!p0 $0x0  }
0x25b: {  	[sflag:s0] =	ssyncadd.s32 @!p0 s1  }
0x25c: {  	[bflag:$0x3] =	sbarrier.arrive $0xFFFF  }
0x25d: {  	_ =	shalt  }

</sc_bundles>
